<compile_context>
chip_gen: v7x
topology: tpu7x:2x2x1
jax: 0.10.2.dev20260603
libtpu: 0.0.44.dev20260713+nightly
codegen_flags: <defaults>
</compile_context>

<pallas_src>
import functools

import jax
import jax.numpy as jnp
from jax import lax
from jax.experimental import pallas as pl
from jax.experimental.pallas import tpu as pltpu
from jax.experimental.pallas import tpu_sc as plsc

_K = 16
_CHUNK = 512
_SUB = 128
_L = 16
_IMAX = 2147483647
_IMIN = -2147483648


def _tc_body(nkeys, q_ref, k_ref, d_ref, cm_ref):
    c = pl.program_id(0)
    nq = q_ref.shape[0]
    cw = k_ref.shape[0]
    q = q_ref[...]
    k = k_ref[...]
    qn = jnp.sum(q * q, axis=1, keepdims=True)
    kn = jnp.sum(k * k, axis=1)[None, :]
    gidx = c * cw + jax.lax.broadcasted_iota(jnp.int32, (1, cw), 1)
    kn = jnp.where(gidx < nkeys, kn, jnp.inf)
    d = -2.0 * jnp.dot(q, k.T, preferred_element_type=jnp.float32)
    d = d + qn
    d = d + kn
    d_ref[...] = d
    cm_ref[...] = jnp.min(d.reshape(nq, cw // _SUB, _SUB),
                          axis=2)[None, :, :]


def _tc_distances(queries, keys_p, nkeys):
    nq, dim = queries.shape
    nkp = keys_p.shape[0]
    nc = nkp // _CHUNK
    return pl.pallas_call(
        functools.partial(_tc_body, nkeys),
        grid=(nc,),
        in_specs=[
            pl.BlockSpec((nq, dim), lambda c: (0, 0)),
            pl.BlockSpec((_CHUNK, dim), lambda c: (c, 0)),
        ],
        out_specs=[
            pl.BlockSpec((nq, _CHUNK), lambda c: (0, c)),
            pl.BlockSpec((1, nq, _CHUNK // _SUB), lambda c: (c, 0, 0)),
        ],
        out_shape=[
            jax.ShapeDtypeStruct((nq, nkp), jnp.float32),
            jax.ShapeDtypeStruct((nc, nq, _CHUNK // _SUB), jnp.float32),
        ],
        compiler_params=pltpu.CompilerParams(
            dimension_semantics=("arbitrary",)),
    )(queries, keys_p)


def _sc_topk(d_hbm_arr, cm_flat, nq, ncm):
    info = plsc.get_sparse_core_info()
    ncores = info.num_cores
    nworkers = ncores * info.num_subcores
    rows_per_w = nq // nworkers
    nv = ncm // _L
    mesh = plsc.VectorSubcoreMesh(core_axis_name="c", subcore_axis_name="s")

    @functools.partial(
        pl.kernel,
        mesh=mesh,
        out_type=[
            jax.ShapeDtypeStruct((nq * _K,), jnp.float32),
            jax.ShapeDtypeStruct((nq * _K,), jnp.int32),
        ],
        scratch_types=[
            pltpu.VMEM((ncm,), jnp.float32),
            pltpu.VMEM((8, _SUB), jnp.float32),
            pltpu.VMEM((8, _SUB), jnp.float32),
            pltpu.SMEM((ncm + 16,), jnp.int32),
            pltpu.VMEM((_K,), jnp.float32),
            pltpu.VMEM((_K,), jnp.int32),
            pltpu.SemaphoreType.DMA,
            pltpu.SemaphoreType.DMA,
        ],
        compiler_params=pltpu.CompilerParams(needs_layout_passes=False),
    )
    def sc_kern(d_hbm, cm_hbm, ov_hbm, oi_hbm, cmb, dt0, dt1, clist,
                ovb, oib, sem0, sem1):
        wid = lax.axis_index("s") * ncores + lax.axis_index("c")
        lane = jax.lax.broadcasted_iota(jnp.int32, (_L,), 0)
        inf16 = jnp.full((_L,), jnp.inf, dtype=jnp.float32)

        def row_body(j, _):
            row = wid * rows_per_w + j
            rbase = (row // 8) * 8
            rr = row % 8
            pltpu.sync_copy(cm_hbm.at[pl.ds(row * ncm, ncm)], cmb)

            def u_vreg(i, uv):
                v = lax.sort(cmb[pl.ds(i * _L, _L)])
                merged = jnp.minimum(uv, lax.rev(v, (0,)))
                return lax.sort(merged)

            uvec = lax.fori_loop(0, nv, u_vreg, inf16)
            u = jnp.max(uvec)

            def cand_vreg(i, cnt):
                v = cmb[pl.ds(i * _L, _L)]
                cand = v <= u

                def c_cond(c):
                    _, msk = c
                    return jnp.any(msk)

                def c_body(c):
                    cn, msk = c
                    l = jnp.max(plsc.all_reduce_ffs(msk))
                    clist[cn] = i * _L + l
                    return (cn + 1, msk & ~(lane == l))

                cnt, _ = lax.while_loop(c_cond, c_body, (cnt, cand))
                return cnt

            ncand = lax.fori_loop(0, nv, cand_vreg, jnp.int32(0))

            def tile_src(ci):
                cid = clist[ci]
                return d_hbm.at[pl.ds(rbase, 8), pl.ds(cid * _SUB, _SUB)]

            pltpu.make_async_copy(tile_src(0), dt0, sem0).start()

            def scan_cand(ci, carry):
                rv, ri, thr = carry
                even = ci % 2 == 0

                @pl.when((ci + 1 < ncand) & even)
                def _():
                    pltpu.make_async_copy(tile_src(ci + 1), dt1,
                                          sem1).start()

                @pl.when((ci + 1 < ncand) & ~even)
                def _():
                    pltpu.make_async_copy(tile_src(ci + 1), dt0,
                                          sem0).start()

                @pl.when(even)
                def _():
                    pltpu.make_async_copy(tile_src(ci), dt0, sem0).wait()

                @pl.when(~even)
                def _():
                    pltpu.make_async_copy(tile_src(ci), dt1, sem1).wait()

                cid = clist[ci]

                def scan_vreg(t, carry2):
                    rv2, ri2, thr2 = carry2
                    sl = pl.ds(t * _L, _L)
                    dv = jnp.where(even, dt0[rr, sl], dt1[rr, sl])
                    gi = cid * _SUB + t * _L + lane
                    hit = dv <= thr2

                    def h_cond(c):
                        return jnp.any(c[3])

                    def h_body(c):
                        rv3, ri3, thr3, msk = c
                        l = jnp.max(plsc.all_reduce_ffs(msk))
                        sel = lane == l
                        ve = jnp.max(jnp.where(sel, dv, -jnp.inf))
                        ie = jnp.max(jnp.where(sel, gi, _IMIN))
                        ei = jnp.max(jnp.where(rv3 == thr3, ri3, _IMIN))
                        better = (ve < thr3) | ((ve == thr3) & (ie < ei))
                        selm = (rv3 == thr3) & (ri3 == ei) & better
                        rv3 = jnp.where(selm, ve, rv3)
                        ri3 = jnp.where(selm, ie, ri3)
                        return (rv3, ri3, jnp.max(rv3), msk & ~sel)

                    rv2, ri2, thr2, _ = lax.while_loop(
                        h_cond, h_body, (rv2, ri2, thr2, hit))
                    return (rv2, ri2, thr2)

                return lax.fori_loop(0, _SUB // _L, scan_vreg,
                                     (rv, ri, thr))

            rv, ri, _ = lax.fori_loop(0, ncand, scan_cand,
                                      (inf16, -(lane + 1), jnp.max(inf16)))

            ov = jnp.zeros((_L,), dtype=jnp.float32)
            oi = jnp.zeros((_L,), dtype=jnp.int32)
            for kk in range(_K):
                mval = jnp.min(rv)
                mi = jnp.min(jnp.where(rv == mval, ri, _IMAX))
                ksel = lane == kk
                ov = jnp.where(ksel, mval, ov)
                oi = jnp.where(ksel, mi, oi)
                rv = jnp.where((rv == mval) & (ri == mi), jnp.inf, rv)
            ovb[...] = ov
            oib[...] = oi
            pltpu.sync_copy(ovb, ov_hbm.at[pl.ds(row * _K, _K)])
            pltpu.sync_copy(oib, oi_hbm.at[pl.ds(row * _K, _K)])
            return 0

        lax.fori_loop(0, rows_per_w, row_body, 0)

    return sc_kern(d_hbm_arr, cm_flat)


def kernel(queries, keys):
    nq, dim = queries.shape
    nk = keys.shape[0]
    nc = pl.cdiv(nk, _CHUNK)
    npad = nc * _CHUNK - nk
    keys_p = jnp.pad(keys, ((0, npad), (0, 0))) if npad else keys
    d_hbm, cm3 = _tc_distances(queries, keys_p, nk)
    ncm = cm3.shape[0] * cm3.shape[2]
    cm = jnp.transpose(cm3, (1, 0, 2)).reshape(nq * ncm)
    ovf, oif = _sc_topk(d_hbm, cm, nq, ncm)
    return (ovf.reshape(nq, _K), oif.reshape(nq, _K))

# --- scband reference (transcript-rebuilt; emitter-appended) ---
"""Pipeline reference for scband-mesh-mamba3-d-seg-38371237822542 (READ-ONLY COPY).

The authoritative reference and input builder live on the scoring server;
editing this copy changes nothing except your own understanding.
"""

import jax, jax.numpy as jnp
import numpy as np

K_NEIGHBORS = 16

def setup_inputs(seed: int = 0) -> dict:
    key = jax.random.key(seed)
    kq, kk = jax.random.split(key)
    queries = jax.random.normal(kq, (1024, 64), dtype=jnp.float32)
    keys = jax.random.normal(kk, (100000, 64), dtype=jnp.float32)
    return {"queries": queries, "keys": keys}

def reference(queries, keys):
    # square_distance from the original module:
    # dist = -2 * src @ dst^T + sum(src^2) + sum(dst^2)
    d = -2.0 * (queries @ keys.T)
    d = d + jnp.sum(queries ** 2, axis=-1, keepdims=True)
    d = d + jnp.sum(keys ** 2, axis=-1)[None, :]
    # KNN(k=16, transpose_mode=True): k smallest distances + their indices
    neg_vals, idx = jax.lax.top_k(-d, K_NEIGHBORS)
    dists = -neg_vals
    return (dists, idx)

if __name__ == "__main__":
    import jax
    _d = setup_inputs()
    print(jax.jit(kernel)(*tuple(_d.values())))

</pallas_src>

<mosaic_0001>
#map = affine_map<(d0, d1) -> (0, 0)>
#map1 = affine_map<(d0, d1) -> (0)>
module attributes {stable_mosaic.version = 14 : i64} {
  func.func @sc_kern(%arg0: i32, %arg1: i32, %arg2: memref<1024x100352xf32, #tpu.memory_space<hbm>>, %arg3: memref<802816xf32, #tpu.memory_space<hbm>>, %arg4: memref<16384xf32, #tpu.memory_space<hbm>>, %arg5: memref<16384xi32, #tpu.memory_space<hbm>>, %arg6: memref<784xf32, #tpu.memory_space<vmem>>, %arg7: memref<8x128xf32, #tpu.memory_space<vmem>>, %arg8: memref<8x128xf32, #tpu.memory_space<vmem>>, %arg9: memref<800xi32, #tpu.memory_space<smem>>, %arg10: memref<16xf32, #tpu.memory_space<vmem>>, %arg11: memref<16xi32, #tpu.memory_space<vmem>>, %arg12: memref<!tpu.dma_semaphore, #tpu.memory_space<semaphore_mem>>, %arg13: memref<!tpu.dma_semaphore, #tpu.memory_space<semaphore_mem>>) attributes {dimension_semantics = [#tpu.dimension_semantics<core_parallel>, #tpu.dimension_semantics<subcore_parallel>], iteration_bounds = array<i64: 2, 16>, scalar_prefetch = 0 : i64, scratch_operands = 8 : i64, tpu.core_type = #tpu.core_type<sc_vector_subcore>, window_params = [{transform_indices = #map}, {transform_indices = #map1}, {transform_indices = #map1}, {transform_indices = #map1}]} {
    %mul3A = arith.constant 2 : i32
    %mul3A_0 = arith.muli %arg1, %mul3A : i32
    %add3A = arith.addi %mul3A_0, %arg0 : i32
    %iota3A = tpu.iota {dimensions = array<i32: 0>} : vector<16xi32>
    %broadcast_in_dim3A = arith.constant 0x7F800000 : f32
    %broadcast_in_dim3A_1 = vector.broadcast %broadcast_in_dim3A : f32 to vector<16xf32>
    %scan3A = arith.constant 0 : i32
    %scan3A_2 = arith.constant 0 : i32
    %scan3A_3 = arith.constant 32 : i32
    %scan3A_4 = arith.addi %scan3A_2, %scan3A_3 : i32
    %scan3A_5 = arith.constant 1 : i32
    %scan3A_6 = scf.for %scan3A_8 = %scan3A_2 to %scan3A_4 step %scan3A_5 iter_args(%scan3A_9 = %scan3A) -> (i32)  : i32 {
      %mul3A_10 = arith.constant 32 : i32
      %mul3A_11 = arith.muli %add3A, %mul3A_10 : i32
      %add3A_12 = arith.addi %mul3A_11, %scan3A_8 : i32
      %jit3A = arith.constant 8 : i32
      %div3A = arith.divsi %add3A_12, %jit3A : i32
      %sign3A = arith.constant 0 : i32
      %sign3A_13 = arith.cmpi sgt, %add3A_12, %sign3A : i32
      %sign3A_14 = arith.extui %sign3A_13 : i1 to i32
      %sign3A_15 = arith.constant 0 : i32
      %sign3A_16 = arith.cmpi slt, %add3A_12, %sign3A_15 : i32
      %sign3A_17 = arith.extui %sign3A_16 : i1 to i32
      %sign3A_18 = arith.subi %sign3A_14, %sign3A_17 : i32
      %sign3A_19 = arith.constant 0 : i32
      %sign3A_20 = arith.cmpi sgt, %jit3A, %sign3A_19 : i32
      %sign3A_21 = arith.extui %sign3A_20 : i1 to i32
      %sign3A_22 = arith.constant 0 : i32
      %sign3A_23 = arith.cmpi slt, %jit3A, %sign3A_22 : i32
      %sign3A_24 = arith.extui %sign3A_23 : i1 to i32
      %sign3A_25 = arith.subi %sign3A_21, %sign3A_24 : i32
      %ne3A = arith.cmpi ne, %sign3A_18, %sign3A_25 : i32
      %rem3A = arith.remsi %add3A_12, %jit3A : i32
      %ne3A_26 = arith.constant 0 : i32
      %ne3A_27 = arith.cmpi ne, %rem3A, %ne3A_26 : i32
      %and3A = arith.andi %ne3A, %ne3A_27 : i1
      %sub3A = arith.constant 1 : i32
      %sub3A_28 = arith.subi %div3A, %sub3A : i32
      %select_n3A = arith.select %and3A, %sub3A_28, %div3A : i32
      %mul3A_29 = arith.constant 8 : i32
      %mul3A_30 = arith.muli %select_n3A, %mul3A_29 : i32
      %jit3A_31 = arith.constant 8 : i32
      %eq3A = arith.constant 0 : i32
      %eq3A_32 = arith.cmpi eq, %jit3A_31, %eq3A : i32
      %jit3A_33 = arith.constant 1 : i32
      %select_n3A_34 = arith.select %eq3A_32, %jit3A_33, %jit3A_31 : i32
      %rem3A_35 = arith.remsi %add3A_12, %select_n3A_34 : i32
      %ne3A_36 = arith.constant 0 : i32
      %ne3A_37 = arith.cmpi ne, %rem3A_35, %ne3A_36 : i32
      %lt3A = arith.constant 0 : i32
      %lt3A_38 = arith.cmpi slt, %rem3A_35, %lt3A : i32
      %lt3A_39 = arith.constant 0 : i32
      %lt3A_40 = arith.cmpi slt, %select_n3A_34, %lt3A_39 : i32
      %ne3A_41 = arith.xori %lt3A_38, %lt3A_40 : i1
      %and3A_42 = arith.andi %ne3A_41, %ne3A_37 : i1
      %add3A_43 = arith.addi %rem3A_35, %select_n3A_34 : i32
      %select_n3A_44 = arith.select %and3A_42, %add3A_43, %rem3A_35 : i32
      %mul3A_45 = arith.constant 784 : i32
      %mul3A_46 = arith.muli %add3A_12, %mul3A_45 : i32
      "tpu.region"() ({
        %run_scoped3A = tpu.sem_alloc : memref<!tpu.dma_semaphore, #tpu.memory_space<semaphore_mem>>
        %dma_start3A_610 = tpu.memref_slice %arg3[%mul3A_46] : memref<802816xf32, #tpu.memory_space<hbm>> -> memref<784xf32, #tpu.memory_space<hbm>>
        %dma_start3A_611 = tpu.memref_slice %arg3[%mul3A_46] : memref<802816xf32, #tpu.memory_space<hbm>> -> memref<784xf32, #tpu.memory_space<hbm>>
        tpu.enqueue_dma source(%dma_start3A_611 : memref<784xf32, #tpu.memory_space<hbm>>) target(%arg6 : memref<784xf32, #tpu.memory_space<vmem>>) target_semaphore(%run_scoped3A : memref<!tpu.dma_semaphore, #tpu.memory_space<semaphore_mem>>)
        %dma_wait3A = tpu.memref_slice %arg3[%mul3A_46] : memref<802816xf32, #tpu.memory_space<hbm>> -> memref<784xf32, #tpu.memory_space<hbm>>
        %dma_wait3A_612 = tpu.memref_slice %arg3[%mul3A_46] : memref<802816xf32, #tpu.memory_space<hbm>> -> memref<784xf32, #tpu.memory_space<hbm>>
        tpu.wait_dma2 semaphore(%run_scoped3A : memref<!tpu.dma_semaphore, #tpu.memory_space<semaphore_mem>>) src(%dma_wait3A_612 : memref<784xf32, #tpu.memory_space<hbm>>) dst(%arg6 : memref<784xf32, #tpu.memory_space<vmem>>)
        tpu.yield
      }) : () -> ()
      %scan3A_47 = arith.constant 0 : i32
      %scan3A_48 = arith.constant 49 : i32
      %scan3A_49 = arith.addi %scan3A_47, %scan3A_48 : i32
      %scan3A_50 = arith.constant 1 : i32
      %scan3A_51 = scf.for %scan3A_610 = %scan3A_47 to %scan3A_49 step %scan3A_50 iter_args(%scan3A_611 = %broadcast_in_dim3A_1) -> (vector<16xf32>)  : i32 {
        %mul3A_612 = arith.constant 16 : i32
        %mul3A_613 = arith.muli %scan3A_610, %mul3A_612 : i32
        %get3A_614 = arith.index_cast %mul3A_613 : i32 to index
        %get3A_615 = tpu.vector_load %arg6[%get3A_614] {strides = array<i32>} : memref<784xf32, #tpu.memory_space<vmem>>, vector<16xf32>,
        %sort3A = arith.constant dense<true> : vector<16xi1>
        %sort3A_616, %sort3A_617, %sort3A_618 = tpu.sort %get3A_615, %get3A_615 masked %sort3A : (vector<16xf32>, vector<16xf32>, vector<16xi1>) -> (vector<16xi1>, vector<16xf32>, vector<16xf32>)
        %rev3A = arith.constant 15 : i32
        %rev3A_619 = vector.broadcast %rev3A : i32 to vector<16xi32>
        %rev3A_620 = tpu.iota {dimensions = array<i32: 0>} : vector<16xi32>
        %rev3A_621 = arith.subi %rev3A_619, %rev3A_620 : vector<16xi32>
        %rev3A_622 = tpu.dynamic_gather %sort3A_617[%rev3A_621] in [0] : vector<16xf32>, vector<16xi32> -> vector<16xf32>
        %min3A = arith.minimumf %scan3A_611, %rev3A_622 : vector<16xf32>
        %sort3A_623 = arith.constant dense<true> : vector<16xi1>
        %sort3A_624, %sort3A_625, %sort3A_626 = tpu.sort %min3A, %min3A masked %sort3A_623 : (vector<16xf32>, vector<16xf32>, vector<16xi1>) -> (vector<16xi1>, vector<16xf32>, vector<16xf32>)
        scf.yield %sort3A_625 : vector<16xf32>
      }
      %scan3A_52 = arith.constant 49 : i32
      %reduce_max3A = arith.constant true
      %reduce_max3A_53 = vector.broadcast %reduce_max3A : i1 to vector<16xi1>
      %reduce_max3A_54 = tpu.scan <max>, %scan3A_51 masked %reduce_max3A_53 : vector<16xf32>, vector<16xi1> -> vector<16xf32>
      %reduce_max3A_55 = vector.extract %reduce_max3A_54[15] : f32 from vector<16xf32>
      %scan3A_56 = arith.constant 0 : i32
      %scan3A_57 = arith.constant 0 : i32
      %scan3A_58 = arith.constant 49 : i32
      %scan3A_59 = arith.addi %scan3A_57, %scan3A_58 : i32
      %scan3A_60 = arith.constant 1 : i32
      %scan3A_61 = scf.for %scan3A_610 = %scan3A_57 to %scan3A_59 step %scan3A_60 iter_args(%scan3A_611 = %scan3A_56) -> (i32)  : i32 {
        %mul3A_612 = arith.constant 16 : i32
        %mul3A_613 = arith.muli %scan3A_610, %mul3A_612 : i32
        %get3A_614 = arith.index_cast %mul3A_613 : i32 to index
        %get3A_615 = tpu.vector_load %arg6[%get3A_614] {strides = array<i32>} : memref<784xf32, #tpu.memory_space<vmem>>, vector<16xf32>,
        %le3A = vector.broadcast %reduce_max3A_55 : f32 to vector<16xf32>
        %le3A_616 = arith.cmpf ole, %get3A_615, %le3A : vector<16xf32>
        %while3A_617:2 = scf.while (%while3A_618 = %scan3A_611, %while3A_619 = %le3A_616) : (i32, vector<16xi1>) -> (i32, vector<16xi1>) {
          %reduce_or3A = arith.constant 1.000000e+00 : f32
          %reduce_or3A_620 = arith.constant 0.000000e+00 : f32
          %reduce_or3A_621 = vector.broadcast %reduce_or3A : f32 to vector<16xf32>
          %reduce_or3A_622 = vector.broadcast %reduce_or3A_620 : f32 to vector<16xf32>
          %reduce_or3A_623 = arith.select %while3A_619, %reduce_or3A_621, %reduce_or3A_622 : vector<16xi1>, vector<16xf32>
          %reduce_or3A_624 = arith.constant true
          %reduce_or3A_625 = vector.broadcast %reduce_or3A_624 : i1 to vector<16xi1>
          %reduce_or3A_626 = tpu.scan <max>, %reduce_or3A_623 masked %reduce_or3A_625 : vector<16xf32>, vector<16xi1> -> vector<16xf32>
          %reduce_or3A_627 = vector.extract %reduce_or3A_626[15] : f32 from vector<16xf32>
          %reduce_or3A_628 = arith.constant 0.000000e+00 : f32
          %reduce_or3A_629 = arith.cmpf ogt, %reduce_or3A_627, %reduce_or3A_628 : f32
          scf.condition(%reduce_or3A_629) %while3A_618, %while3A_619 : i32, vector<16xi1>
        } do {
        ^bb0(%while3A_618: i32, %while3A_619: vector<16xi1>):
          %all_reduce_ffs3A = tpu.all_reduce %while3A_619 {dim = 0 : i64, kind = #tpu.reduction_kind<find_first_set>} : vector<16xi1> -> vector<16xi32>
          %reduce_max3A_620 = arith.constant true
          %reduce_max3A_621 = vector.broadcast %reduce_max3A_620 : i1 to vector<16xi1>
          %reduce_max3A_622 = arith.constant -2147483648 : i32
          %reduce_max3A_623 = vector.broadcast %reduce_max3A_622 : i32 to vector<16xi32>
          %reduce_max3A_624 = arith.xori %all_reduce_ffs3A, %reduce_max3A_623 : vector<16xi32>
          %reduce_max3A_625 = tpu.scan <max>, %reduce_max3A_624 masked %reduce_max3A_621 : vector<16xi32>, vector<16xi1> -> vector<16xi32>
          %reduce_max3A_626 = arith.xori %reduce_max3A_625, %reduce_max3A_623 : vector<16xi32>
          %reduce_max3A_627 = vector.extract %reduce_max3A_626[15] : i32 from vector<16xi32>
          %mul3A_628 = arith.constant 16 : i32
          %mul3A_629 = arith.muli %scan3A_610, %mul3A_628 : i32
          %add3A_630 = arith.addi %mul3A_629, %reduce_max3A_627 : i32
          %swap3A_631 = arith.index_cast %while3A_618 : i32 to index
          %swap3A_632 = memref.load %arg9[%swap3A_631] : memref<800xi32, #tpu.memory_space<smem>>
          memref.store %add3A_630, %arg9[%swap3A_631] : memref<800xi32, #tpu.memory_space<smem>>
          %add3A_633 = arith.constant 1 : i32
          %add3A_634 = arith.addi %while3A_618, %add3A_633 : i32
          %eq3A_635 = vector.broadcast %reduce_max3A_627 : i32 to vector<16xi32>
          %eq3A_636 = arith.cmpi eq, %iota3A, %eq3A_635 : vector<16xi32>
          %not3A = arith.constant dense<true> : vector<16xi1>
          %not3A_637 = arith.xori %eq3A_636, %not3A : vector<16xi1>
          %and3A_638 = arith.andi %while3A_619, %not3A_637 : vector<16xi1>
          scf.yield %add3A_634, %and3A_638 : i32, vector<16xi1>
        }
        scf.yield %while3A_617#0 : i32
      }
      %scan3A_62 = arith.constant 49 : i32
      %get3A = arith.constant 0 : i32
      %get3A_63 = arith.index_cast %get3A : i32 to index
      %get3A_64 = memref.load %arg9[%get3A_63] : memref<800xi32, #tpu.memory_space<smem>>
      %mul3A_65 = arith.constant 128 : i32
      %mul3A_66 = arith.muli %get3A_64, %mul3A_65 : i32
      %dma_start3A = tpu.memref_slice %arg2[%mul3A_30, %mul3A_66] : memref<1024x100352xf32, #tpu.memory_space<hbm>> -> memref<8x128xf32, #tpu.memory_space<hbm>>
      %dma_start3A_67 = tpu.memref_slice %arg2[%mul3A_30, %mul3A_66] : memref<1024x100352xf32, #tpu.memory_space<hbm>> -> memref<8x128xf32, #tpu.memory_space<hbm>>
      tpu.enqueue_dma source(%dma_start3A_67 : memref<8x128xf32, #tpu.memory_space<hbm>>) target(%arg7 : memref<8x128xf32, #tpu.memory_space<vmem>>) target_semaphore(%arg12 : memref<!tpu.dma_semaphore, #tpu.memory_space<semaphore_mem>>)
      %add3A_68 = arith.constant 1 : i32
      %add3A_69 = vector.broadcast %add3A_68 : i32 to vector<16xi32>
      %add3A_70 = arith.addi %iota3A, %add3A_69 : vector<16xi32>
      %neg3A = arith.constant 0 : i32
      %neg3A_71 = vector.broadcast %neg3A : i32 to vector<16xi32>
      %neg3A_72 = arith.subi %neg3A_71, %add3A_70 : vector<16xi32>
      %reduce_max3A_73 = arith.constant true
      %reduce_max3A_74 = vector.broadcast %reduce_max3A_73 : i1 to vector<16xi1>
      %reduce_max3A_75 = tpu.scan <max>, %broadcast_in_dim3A_1 masked %reduce_max3A_74 : vector<16xf32>, vector<16xi1> -> vector<16xf32>
      %reduce_max3A_76 = vector.extract %reduce_max3A_75[15] : f32 from vector<16xf32>
      %while3A = arith.constant 0 : i32
      %while3A_77 = arith.subi %scan3A_61, %while3A : i32
      %while3A_78 = arith.addi %while3A, %while3A_77 : i32
      %while3A_79 = arith.constant 1 : i32
      %while3A_80 = arith.divsi %while3A_77, %while3A_79 : i32
      %while3A_81 = arith.muli %while3A_80, %while3A_79 : i32
      %while3A_82 = arith.addi %while3A, %while3A_81 : i32
      %while3A_83 = arith.constant 1 : i32
      %while3A_84:3 = scf.for %while3A_610 = %while3A to %while3A_82 step %while3A_83 iter_args(%while3A_611 = %broadcast_in_dim3A_1, %while3A_612 = %neg3A_72, %while3A_613 = %reduce_max3A_76) -> (vector<16xf32>, vector<16xi32>, f32)  : i32 {
        %jit3A_614 = arith.constant 2 : i32
        %eq3A_615 = arith.constant 0 : i32
        %eq3A_616 = arith.cmpi eq, %jit3A_614, %eq3A_615 : i32
        %jit3A_617 = arith.constant 1 : i32
        %select_n3A_618 = arith.select %eq3A_616, %jit3A_617, %jit3A_614 : i32
        %rem3A_619 = arith.remsi %while3A_610, %select_n3A_618 : i32
        %ne3A_620 = arith.constant 0 : i32
        %ne3A_621 = arith.cmpi ne, %rem3A_619, %ne3A_620 : i32
        %lt3A_622 = arith.constant 0 : i32
        %lt3A_623 = arith.cmpi slt, %rem3A_619, %lt3A_622 : i32
        %lt3A_624 = arith.constant 0 : i32
        %lt3A_625 = arith.cmpi slt, %select_n3A_618, %lt3A_624 : i32
        %ne3A_626 = arith.xori %lt3A_623, %lt3A_625 : i1
        %and3A_627 = arith.andi %ne3A_626, %ne3A_621 : i1
        %add3A_628 = arith.addi %rem3A_619, %select_n3A_618 : i32
        %select_n3A_629 = arith.select %and3A_627, %add3A_628, %rem3A_619 : i32
        %eq3A_630 = arith.constant 0 : i32
        %eq3A_631 = arith.cmpi eq, %select_n3A_629, %eq3A_630 : i32
        %add3A_632 = arith.constant 1 : i32
        %add3A_633 = arith.addi %while3A_610, %add3A_632 : i32
        %lt3A_634 = arith.cmpi slt, %add3A_633, %scan3A_61 : i32
        %and3A_635 = arith.andi %lt3A_634, %eq3A_631 : i1
        %convert_element_type3A = arith.extui %and3A_635 : i1 to i32
        %cond3A = arith.constant 0 : i32
        %cond3A_636 = arith.cmpi ne, %convert_element_type3A, %cond3A : i32
        scf.if %cond3A_636 {
          %add3A_661 = arith.constant 1 : i32
          %add3A_662 = arith.addi %while3A_610, %add3A_661 : i32
          %get3A_663 = arith.index_cast %add3A_662 : i32 to index
          %get3A_664 = memref.load %arg9[%get3A_663] : memref<800xi32, #tpu.memory_space<smem>>
          %mul3A_665 = arith.constant 128 : i32
          %mul3A_666 = arith.muli %get3A_664, %mul3A_665 : i32
          %dma_start3A_667 = tpu.memref_slice %arg2[%mul3A_30, %mul3A_666] : memref<1024x100352xf32, #tpu.memory_space<hbm>> -> memref<8x128xf32, #tpu.memory_space<hbm>>
          %dma_start3A_668 = tpu.memref_slice %arg2[%mul3A_30, %mul3A_666] : memref<1024x100352xf32, #tpu.memory_space<hbm>> -> memref<8x128xf32, #tpu.memory_space<hbm>>
          tpu.enqueue_dma source(%dma_start3A_668 : memref<8x128xf32, #tpu.memory_space<hbm>>) target(%arg8 : memref<8x128xf32, #tpu.memory_space<vmem>>) target_semaphore(%arg13 : memref<!tpu.dma_semaphore, #tpu.memory_space<semaphore_mem>>)
        } else {
        }
        %add3A_637 = arith.constant 1 : i32
        %add3A_638 = arith.addi %while3A_610, %add3A_637 : i32
        %lt3A_639 = arith.cmpi slt, %add3A_638, %scan3A_61 : i32
        %not3A = arith.constant true
        %not3A_640 = arith.xori %eq3A_631, %not3A : i1
        %and3A_641 = arith.andi %lt3A_639, %not3A_640 : i1
        %convert_element_type3A_642 = arith.extui %and3A_641 : i1 to i32
        %cond3A_643 = arith.constant 0 : i32
        %cond3A_644 = arith.cmpi ne, %convert_element_type3A_642, %cond3A_643 : i32
        scf.if %cond3A_644 {
          %add3A_661 = arith.constant 1 : i32
          %add3A_662 = arith.addi %while3A_610, %add3A_661 : i32
          %get3A_663 = arith.index_cast %add3A_662 : i32 to index
          %get3A_664 = memref.load %arg9[%get3A_663] : memref<800xi32, #tpu.memory_space<smem>>
          %mul3A_665 = arith.constant 128 : i32
          %mul3A_666 = arith.muli %get3A_664, %mul3A_665 : i32
          %dma_start3A_667 = tpu.memref_slice %arg2[%mul3A_30, %mul3A_666] : memref<1024x100352xf32, #tpu.memory_space<hbm>> -> memref<8x128xf32, #tpu.memory_space<hbm>>
          %dma_start3A_668 = tpu.memref_slice %arg2[%mul3A_30, %mul3A_666] : memref<1024x100352xf32, #tpu.memory_space<hbm>> -> memref<8x128xf32, #tpu.memory_space<hbm>>
          tpu.enqueue_dma source(%dma_start3A_668 : memref<8x128xf32, #tpu.memory_space<hbm>>) target(%arg7 : memref<8x128xf32, #tpu.memory_space<vmem>>) target_semaphore(%arg12 : memref<!tpu.dma_semaphore, #tpu.memory_space<semaphore_mem>>)
        } else {
        }
        %convert_element_type3A_645 = arith.extui %eq3A_631 : i1 to i32
        %cond3A_646 = arith.constant 0 : i32
        %cond3A_647 = arith.cmpi ne, %convert_element_type3A_645, %cond3A_646 : i32
        scf.if %cond3A_647 {
          %get3A_661 = arith.index_cast %while3A_610 : i32 to index
          %get3A_662 = memref.load %arg9[%get3A_661] : memref<800xi32, #tpu.memory_space<smem>>
          %mul3A_663 = arith.constant 128 : i32
          %mul3A_664 = arith.muli %get3A_662, %mul3A_663 : i32
          %dma_wait3A = tpu.memref_slice %arg2[%mul3A_30, %mul3A_664] : memref<1024x100352xf32, #tpu.memory_space<hbm>> -> memref<8x128xf32, #tpu.memory_space<hbm>>
          %dma_wait3A_665 = tpu.memref_slice %arg2[%mul3A_30, %mul3A_664] : memref<1024x100352xf32, #tpu.memory_space<hbm>> -> memref<8x128xf32, #tpu.memory_space<hbm>>
          tpu.wait_dma2 semaphore(%arg12 : memref<!tpu.dma_semaphore, #tpu.memory_space<semaphore_mem>>) src(%dma_wait3A_665 : memref<8x128xf32, #tpu.memory_space<hbm>>) dst(%arg7 : memref<8x128xf32, #tpu.memory_space<vmem>>)
        } else {
        }
        %not3A_648 = arith.constant true
        %not3A_649 = arith.xori %eq3A_631, %not3A_648 : i1
        %convert_element_type3A_650 = arith.extui %not3A_649 : i1 to i32
        %cond3A_651 = arith.constant 0 : i32
        %cond3A_652 = arith.cmpi ne, %convert_element_type3A_650, %cond3A_651 : i32
        scf.if %cond3A_652 {
          %get3A_661 = arith.index_cast %while3A_610 : i32 to index
          %get3A_662 = memref.load %arg9[%get3A_661] : memref<800xi32, #tpu.memory_space<smem>>
          %mul3A_663 = arith.constant 128 : i32
          %mul3A_664 = arith.muli %get3A_662, %mul3A_663 : i32
          %dma_wait3A = tpu.memref_slice %arg2[%mul3A_30, %mul3A_664] : memref<1024x100352xf32, #tpu.memory_space<hbm>> -> memref<8x128xf32, #tpu.memory_space<hbm>>
          %dma_wait3A_665 = tpu.memref_slice %arg2[%mul3A_30, %mul3A_664] : memref<1024x100352xf32, #tpu.memory_space<hbm>> -> memref<8x128xf32, #tpu.memory_space<hbm>>
          tpu.wait_dma2 semaphore(%arg13 : memref<!tpu.dma_semaphore, #tpu.memory_space<semaphore_mem>>) src(%dma_wait3A_665 : memref<8x128xf32, #tpu.memory_space<hbm>>) dst(%arg8 : memref<8x128xf32, #tpu.memory_space<vmem>>)
        } else {
        }
        %get3A_653 = arith.index_cast %while3A_610 : i32 to index
        %get3A_654 = memref.load %arg9[%get3A_653] : memref<800xi32, #tpu.memory_space<smem>>
        %scan3A_655 = arith.constant 0 : i32
        %scan3A_656 = arith.constant 8 : i32
        %scan3A_657 = arith.addi %scan3A_655, %scan3A_656 : i32
        %scan3A_658 = arith.constant 1 : i32
        %scan3A_659:3 = scf.for %scan3A_661 = %scan3A_655 to %scan3A_657 step %scan3A_658 iter_args(%scan3A_662 = %while3A_611, %scan3A_663 = %while3A_612, %scan3A_664 = %while3A_613) -> (vector<16xf32>, vector<16xi32>, f32)  : i32 {
          %mul3A_665 = arith.constant 16 : i32
          %mul3A_666 = arith.muli %scan3A_661, %mul3A_665 : i32
          %get3A_667 = arith.index_cast %select_n3A_44 : i32 to index
          %get3A_668 = arith.index_cast %mul3A_666 : i32 to index
          %get3A_669 = tpu.vector_load %arg7[%get3A_667, %get3A_668] {strides = array<i32>} : memref<8x128xf32, #tpu.memory_space<vmem>>, vector<16xf32>,
          %get3A_670 = arith.index_cast %select_n3A_44 : i32 to index
          %get3A_671 = arith.index_cast %mul3A_666 : i32 to index
          %get3A_672 = tpu.vector_load %arg8[%get3A_670, %get3A_671] {strides = array<i32>} : memref<8x128xf32, #tpu.memory_space<vmem>>, vector<16xf32>,
          %select_n3A_673 = arith.select %eq3A_631, %get3A_669, %get3A_672 : vector<16xf32>
          %mul3A_674 = arith.constant 128 : i32
          %mul3A_675 = arith.muli %get3A_654, %mul3A_674 : i32
          %mul3A_676 = arith.constant 16 : i32
          %mul3A_677 = arith.muli %scan3A_661, %mul3A_676 : i32
          %add3A_678 = arith.addi %mul3A_675, %mul3A_677 : i32
          %add3A_679 = vector.broadcast %add3A_678 : i32 to vector<16xi32>
          %add3A_680 = arith.addi %add3A_679, %iota3A : vector<16xi32>
          %le3A = vector.broadcast %scan3A_664 : f32 to vector<16xf32>
          %le3A_681 = arith.cmpf ole, %select_n3A_673, %le3A : vector<16xf32>
          %while3A_682:4 = scf.while (%while3A_683 = %scan3A_662, %while3A_684 = %scan3A_663, %while3A_685 = %scan3A_664, %while3A_686 = %le3A_681) : (vector<16xf32>, vector<16xi32>, f32, vector<16xi1>) -> (vector<16xf32>, vector<16xi32>, f32, vector<16xi1>) {
            %reduce_or3A = arith.constant 1.000000e+00 : f32
            %reduce_or3A_687 = arith.constant 0.000000e+00 : f32
            %reduce_or3A_688 = vector.broadcast %reduce_or3A : f32 to vector<16xf32>
            %reduce_or3A_689 = vector.broadcast %reduce_or3A_687 : f32 to vector<16xf32>
            %reduce_or3A_690 = arith.select %while3A_686, %reduce_or3A_688, %reduce_or3A_689 : vector<16xi1>, vector<16xf32>
            %reduce_or3A_691 = arith.constant true
            %reduce_or3A_692 = vector.broadcast %reduce_or3A_691 : i1 to vector<16xi1>
            %reduce_or3A_693 = tpu.scan <max>, %reduce_or3A_690 masked %reduce_or3A_692 : vector<16xf32>, vector<16xi1> -> vector<16xf32>
            %reduce_or3A_694 = vector.extract %reduce_or3A_693[15] : f32 from vector<16xf32>
            %reduce_or3A_695 = arith.constant 0.000000e+00 : f32
            %reduce_or3A_696 = arith.cmpf ogt, %reduce_or3A_694, %reduce_or3A_695 : f32
            scf.condition(%reduce_or3A_696) %while3A_683, %while3A_684, %while3A_685, %while3A_686 : vector<16xf32>, vector<16xi32>, f32, vector<16xi1>
          } do {
          ^bb0(%while3A_683: vector<16xf32>, %while3A_684: vector<16xi32>, %while3A_685: f32, %while3A_686: vector<16xi1>):
            %all_reduce_ffs3A = tpu.all_reduce %while3A_686 {dim = 0 : i64, kind = #tpu.reduction_kind<find_first_set>} : vector<16xi1> -> vector<16xi32>
            %reduce_max3A_687 = arith.constant true
            %reduce_max3A_688 = vector.broadcast %reduce_max3A_687 : i1 to vector<16xi1>
            %reduce_max3A_689 = arith.constant -2147483648 : i32
            %reduce_max3A_690 = vector.broadcast %reduce_max3A_689 : i32 to vector<16xi32>
            %reduce_max3A_691 = arith.xori %all_reduce_ffs3A, %reduce_max3A_690 : vector<16xi32>
            %reduce_max3A_692 = tpu.scan <max>, %reduce_max3A_691 masked %reduce_max3A_688 : vector<16xi32>, vector<16xi1> -> vector<16xi32>
            %reduce_max3A_693 = arith.xori %reduce_max3A_692, %reduce_max3A_690 : vector<16xi32>
            %reduce_max3A_694 = vector.extract %reduce_max3A_693[15] : i32 from vector<16xi32>
            %eq3A_695 = vector.broadcast %reduce_max3A_694 : i32 to vector<16xi32>
            %eq3A_696 = arith.cmpi eq, %iota3A, %eq3A_695 : vector<16xi32>
            %jit3A_697 = arith.constant 0xFF800000 : f32
            %broadcast_in_dim3A_698 = vector.broadcast %jit3A_697 : f32 to vector<16xf32>
            %select_n3A_699 = arith.select %eq3A_696, %select_n3A_673, %broadcast_in_dim3A_698 : vector<16xi1>, vector<16xf32>
            %reduce_max3A_700 = arith.constant true
            %reduce_max3A_701 = vector.broadcast %reduce_max3A_700 : i1 to vector<16xi1>
            %reduce_max3A_702 = tpu.scan <max>, %select_n3A_699 masked %reduce_max3A_701 : vector<16xf32>, vector<16xi1> -> vector<16xf32>
            %reduce_max3A_703 = vector.extract %reduce_max3A_702[15] : f32 from vector<16xf32>
            %jit3A_704 = arith.constant -2147483648 : i32
            %broadcast_in_dim3A_705 = vector.broadcast %jit3A_704 : i32 to vector<16xi32>
            %select_n3A_706 = arith.select %eq3A_696, %add3A_680, %broadcast_in_dim3A_705 : vector<16xi1>, vector<16xi32>
            %reduce_max3A_707 = arith.constant true
            %reduce_max3A_708 = vector.broadcast %reduce_max3A_707 : i1 to vector<16xi1>
            %reduce_max3A_709 = arith.constant -2147483648 : i32
            %reduce_max3A_710 = vector.broadcast %reduce_max3A_709 : i32 to vector<16xi32>
            %reduce_max3A_711 = arith.xori %select_n3A_706, %reduce_max3A_710 : vector<16xi32>
            %reduce_max3A_712 = tpu.scan <max>, %reduce_max3A_711 masked %reduce_max3A_708 : vector<16xi32>, vector<16xi1> -> vector<16xi32>
            %reduce_max3A_713 = arith.xori %reduce_max3A_712, %reduce_max3A_710 : vector<16xi32>
            %reduce_max3A_714 = vector.extract %reduce_max3A_713[15] : i32 from vector<16xi32>
            %eq3A_715 = vector.broadcast %while3A_685 : f32 to vector<16xf32>
            %eq3A_716 = arith.cmpf oeq, %while3A_683, %eq3A_715 : vector<16xf32>
            %jit3A_717 = arith.constant -2147483648 : i32
            %broadcast_in_dim3A_718 = vector.broadcast %jit3A_717 : i32 to vector<16xi32>
            %select_n3A_719 = arith.select %eq3A_716, %while3A_684, %broadcast_in_dim3A_718 : vector<16xi1>, vector<16xi32>
            %reduce_max3A_720 = arith.constant true
            %reduce_max3A_721 = vector.broadcast %reduce_max3A_720 : i1 to vector<16xi1>
            %reduce_max3A_722 = arith.constant -2147483648 : i32
            %reduce_max3A_723 = vector.broadcast %reduce_max3A_722 : i32 to vector<16xi32>
            %reduce_max3A_724 = arith.xori %select_n3A_719, %reduce_max3A_723 : vector<16xi32>
            %reduce_max3A_725 = tpu.scan <max>, %reduce_max3A_724 masked %reduce_max3A_721 : vector<16xi32>, vector<16xi1> -> vector<16xi32>
            %reduce_max3A_726 = arith.xori %reduce_max3A_725, %reduce_max3A_723 : vector<16xi32>
            %reduce_max3A_727 = vector.extract %reduce_max3A_726[15] : i32 from vector<16xi32>
            %lt3A_728 = arith.cmpf olt, %reduce_max3A_703, %while3A_685 : f32
            %eq3A_729 = arith.cmpf oeq, %reduce_max3A_703, %while3A_685 : f32
            %lt3A_730 = arith.cmpi slt, %reduce_max3A_714, %reduce_max3A_727 : i32
            %and3A_731 = arith.andi %eq3A_729, %lt3A_730 : i1
            %or3A = arith.ori %lt3A_728, %and3A_731 : i1
            %eq3A_732 = vector.broadcast %while3A_685 : f32 to vector<16xf32>
            %eq3A_733 = arith.cmpf oeq, %while3A_683, %eq3A_732 : vector<16xf32>
            %eq3A_734 = vector.broadcast %reduce_max3A_727 : i32 to vector<16xi32>
            %eq3A_735 = arith.cmpi eq, %while3A_684, %eq3A_734 : vector<16xi32>
            %and3A_736 = arith.andi %eq3A_733, %eq3A_735 : vector<16xi1>
            %and3A_737 = vector.broadcast %or3A : i1 to vector<16xi1>
            %and3A_738 = arith.andi %and3A_736, %and3A_737 : vector<16xi1>
            %broadcast_in_dim3A_739 = vector.broadcast %reduce_max3A_703 : f32 to vector<16xf32>
            %select_n3A_740 = arith.select %and3A_738, %broadcast_in_dim3A_739, %while3A_683 : vector<16xi1>, vector<16xf32>
            %broadcast_in_dim3A_741 = vector.broadcast %reduce_max3A_714 : i32 to vector<16xi32>
            %select_n3A_742 = arith.select %and3A_738, %broadcast_in_dim3A_741, %while3A_684 : vector<16xi1>, vector<16xi32>
            %reduce_max3A_743 = arith.constant true
            %reduce_max3A_744 = vector.broadcast %reduce_max3A_743 : i1 to vector<16xi1>
            %reduce_max3A_745 = tpu.scan <max>, %select_n3A_740 masked %reduce_max3A_744 : vector<16xf32>, vector<16xi1> -> vector<16xf32>
            %reduce_max3A_746 = vector.extract %reduce_max3A_745[15] : f32 from vector<16xf32>
            %not3A_747 = arith.constant dense<true> : vector<16xi1>
            %not3A_748 = arith.xori %eq3A_696, %not3A_747 : vector<16xi1>
            %and3A_749 = arith.andi %while3A_686, %not3A_748 : vector<16xi1>
            scf.yield %select_n3A_740, %select_n3A_742, %reduce_max3A_746, %and3A_749 : vector<16xf32>, vector<16xi32>, f32, vector<16xi1>
          }
          scf.yield %while3A_682#0, %while3A_682#1, %while3A_682#2 : vector<16xf32>, vector<16xi32>, f32
        }
        %scan3A_660 = arith.constant 8 : i32
        scf.yield %scan3A_659#0, %scan3A_659#1, %scan3A_659#2 : vector<16xf32>, vector<16xi32>, f32
      }
      %while3A_85 = arith.constant 1 : i32
      %while3A_86:3 = scf.for %while3A_610 = %while3A_82 to %while3A_78 step %while3A_85 iter_args(%while3A_611 = %while3A_84#0, %while3A_612 = %while3A_84#1, %while3A_613 = %while3A_84#2) -> (vector<16xf32>, vector<16xi32>, f32)  : i32 {
        %jit3A_614 = arith.constant 2 : i32
        %eq3A_615 = arith.constant 0 : i32
        %eq3A_616 = arith.cmpi eq, %jit3A_614, %eq3A_615 : i32
        %jit3A_617 = arith.constant 1 : i32
        %select_n3A_618 = arith.select %eq3A_616, %jit3A_617, %jit3A_614 : i32
        %rem3A_619 = arith.remsi %while3A_610, %select_n3A_618 : i32
        %ne3A_620 = arith.constant 0 : i32
        %ne3A_621 = arith.cmpi ne, %rem3A_619, %ne3A_620 : i32
        %lt3A_622 = arith.constant 0 : i32
        %lt3A_623 = arith.cmpi slt, %rem3A_619, %lt3A_622 : i32
        %lt3A_624 = arith.constant 0 : i32
        %lt3A_625 = arith.cmpi slt, %select_n3A_618, %lt3A_624 : i32
        %ne3A_626 = arith.xori %lt3A_623, %lt3A_625 : i1
        %and3A_627 = arith.andi %ne3A_626, %ne3A_621 : i1
        %add3A_628 = arith.addi %rem3A_619, %select_n3A_618 : i32
        %select_n3A_629 = arith.select %and3A_627, %add3A_628, %rem3A_619 : i32
        %eq3A_630 = arith.constant 0 : i32
        %eq3A_631 = arith.cmpi eq, %select_n3A_629, %eq3A_630 : i32
        %add3A_632 = arith.constant 1 : i32
        %add3A_633 = arith.addi %while3A_610, %add3A_632 : i32
        %lt3A_634 = arith.cmpi slt, %add3A_633, %scan3A_61 : i32
        %and3A_635 = arith.andi %lt3A_634, %eq3A_631 : i1
        %convert_element_type3A = arith.extui %and3A_635 : i1 to i32
        %cond3A = arith.constant 0 : i32
        %cond3A_636 = arith.cmpi ne, %convert_element_type3A, %cond3A : i32
        scf.if %cond3A_636 {
          %add3A_661 = arith.constant 1 : i32
          %add3A_662 = arith.addi %while3A_610, %add3A_661 : i32
          %get3A_663 = arith.index_cast %add3A_662 : i32 to index
          %get3A_664 = memref.load %arg9[%get3A_663] : memref<800xi32, #tpu.memory_space<smem>>
          %mul3A_665 = arith.constant 128 : i32
          %mul3A_666 = arith.muli %get3A_664, %mul3A_665 : i32
          %dma_start3A_667 = tpu.memref_slice %arg2[%mul3A_30, %mul3A_666] : memref<1024x100352xf32, #tpu.memory_space<hbm>> -> memref<8x128xf32, #tpu.memory_space<hbm>>
          %dma_start3A_668 = tpu.memref_slice %arg2[%mul3A_30, %mul3A_666] : memref<1024x100352xf32, #tpu.memory_space<hbm>> -> memref<8x128xf32, #tpu.memory_space<hbm>>
          tpu.enqueue_dma source(%dma_start3A_668 : memref<8x128xf32, #tpu.memory_space<hbm>>) target(%arg8 : memref<8x128xf32, #tpu.memory_space<vmem>>) target_semaphore(%arg13 : memref<!tpu.dma_semaphore, #tpu.memory_space<semaphore_mem>>)
        } else {
        }
        %add3A_637 = arith.constant 1 : i32
        %add3A_638 = arith.addi %while3A_610, %add3A_637 : i32
        %lt3A_639 = arith.cmpi slt, %add3A_638, %scan3A_61 : i32
        %not3A = arith.constant true
        %not3A_640 = arith.xori %eq3A_631, %not3A : i1
        %and3A_641 = arith.andi %lt3A_639, %not3A_640 : i1
        %convert_element_type3A_642 = arith.extui %and3A_641 : i1 to i32
        %cond3A_643 = arith.constant 0 : i32
        %cond3A_644 = arith.cmpi ne, %convert_element_type3A_642, %cond3A_643 : i32
        scf.if %cond3A_644 {
          %add3A_661 = arith.constant 1 : i32
          %add3A_662 = arith.addi %while3A_610, %add3A_661 : i32
          %get3A_663 = arith.index_cast %add3A_662 : i32 to index
          %get3A_664 = memref.load %arg9[%get3A_663] : memref<800xi32, #tpu.memory_space<smem>>
          %mul3A_665 = arith.constant 128 : i32
          %mul3A_666 = arith.muli %get3A_664, %mul3A_665 : i32
          %dma_start3A_667 = tpu.memref_slice %arg2[%mul3A_30, %mul3A_666] : memref<1024x100352xf32, #tpu.memory_space<hbm>> -> memref<8x128xf32, #tpu.memory_space<hbm>>
          %dma_start3A_668 = tpu.memref_slice %arg2[%mul3A_30, %mul3A_666] : memref<1024x100352xf32, #tpu.memory_space<hbm>> -> memref<8x128xf32, #tpu.memory_space<hbm>>
          tpu.enqueue_dma source(%dma_start3A_668 : memref<8x128xf32, #tpu.memory_space<hbm>>) target(%arg7 : memref<8x128xf32, #tpu.memory_space<vmem>>) target_semaphore(%arg12 : memref<!tpu.dma_semaphore, #tpu.memory_space<semaphore_mem>>)
        } else {
        }
        %convert_element_type3A_645 = arith.extui %eq3A_631 : i1 to i32
        %cond3A_646 = arith.constant 0 : i32
        %cond3A_647 = arith.cmpi ne, %convert_element_type3A_645, %cond3A_646 : i32
        scf.if %cond3A_647 {
          %get3A_661 = arith.index_cast %while3A_610 : i32 to index
          %get3A_662 = memref.load %arg9[%get3A_661] : memref<800xi32, #tpu.memory_space<smem>>
          %mul3A_663 = arith.constant 128 : i32
          %mul3A_664 = arith.muli %get3A_662, %mul3A_663 : i32
          %dma_wait3A = tpu.memref_slice %arg2[%mul3A_30, %mul3A_664] : memref<1024x100352xf32, #tpu.memory_space<hbm>> -> memref<8x128xf32, #tpu.memory_space<hbm>>
          %dma_wait3A_665 = tpu.memref_slice %arg2[%mul3A_30, %mul3A_664] : memref<1024x100352xf32, #tpu.memory_space<hbm>> -> memref<8x128xf32, #tpu.memory_space<hbm>>
          tpu.wait_dma2 semaphore(%arg12 : memref<!tpu.dma_semaphore, #tpu.memory_space<semaphore_mem>>) src(%dma_wait3A_665 : memref<8x128xf32, #tpu.memory_space<hbm>>) dst(%arg7 : memref<8x128xf32, #tpu.memory_space<vmem>>)
        } else {
        }
        %not3A_648 = arith.constant true
        %not3A_649 = arith.xori %eq3A_631, %not3A_648 : i1
        %convert_element_type3A_650 = arith.extui %not3A_649 : i1 to i32
        %cond3A_651 = arith.constant 0 : i32
        %cond3A_652 = arith.cmpi ne, %convert_element_type3A_650, %cond3A_651 : i32
        scf.if %cond3A_652 {
          %get3A_661 = arith.index_cast %while3A_610 : i32 to index
          %get3A_662 = memref.load %arg9[%get3A_661] : memref<800xi32, #tpu.memory_space<smem>>
          %mul3A_663 = arith.constant 128 : i32
          %mul3A_664 = arith.muli %get3A_662, %mul3A_663 : i32
          %dma_wait3A = tpu.memref_slice %arg2[%mul3A_30, %mul3A_664] : memref<1024x100352xf32, #tpu.memory_space<hbm>> -> memref<8x128xf32, #tpu.memory_space<hbm>>
          %dma_wait3A_665 = tpu.memref_slice %arg2[%mul3A_30, %mul3A_664] : memref<1024x100352xf32, #tpu.memory_space<hbm>> -> memref<8x128xf32, #tpu.memory_space<hbm>>
          tpu.wait_dma2 semaphore(%arg13 : memref<!tpu.dma_semaphore, #tpu.memory_space<semaphore_mem>>) src(%dma_wait3A_665 : memref<8x128xf32, #tpu.memory_space<hbm>>) dst(%arg8 : memref<8x128xf32, #tpu.memory_space<vmem>>)
        } else {
        }
        %get3A_653 = arith.index_cast %while3A_610 : i32 to index
        %get3A_654 = memref.load %arg9[%get3A_653] : memref<800xi32, #tpu.memory_space<smem>>
        %scan3A_655 = arith.constant 0 : i32
        %scan3A_656 = arith.constant 8 : i32
        %scan3A_657 = arith.addi %scan3A_655, %scan3A_656 : i32
        %scan3A_658 = arith.constant 1 : i32
        %scan3A_659:3 = scf.for %scan3A_661 = %scan3A_655 to %scan3A_657 step %scan3A_658 iter_args(%scan3A_662 = %while3A_611, %scan3A_663 = %while3A_612, %scan3A_664 = %while3A_613) -> (vector<16xf32>, vector<16xi32>, f32)  : i32 {
          %mul3A_665 = arith.constant 16 : i32
          %mul3A_666 = arith.muli %scan3A_661, %mul3A_665 : i32
          %get3A_667 = arith.index_cast %select_n3A_44 : i32 to index
          %get3A_668 = arith.index_cast %mul3A_666 : i32 to index
          %get3A_669 = tpu.vector_load %arg7[%get3A_667, %get3A_668] {strides = array<i32>} : memref<8x128xf32, #tpu.memory_space<vmem>>, vector<16xf32>,
          %get3A_670 = arith.index_cast %select_n3A_44 : i32 to index
          %get3A_671 = arith.index_cast %mul3A_666 : i32 to index
          %get3A_672 = tpu.vector_load %arg8[%get3A_670, %get3A_671] {strides = array<i32>} : memref<8x128xf32, #tpu.memory_space<vmem>>, vector<16xf32>,
          %select_n3A_673 = arith.select %eq3A_631, %get3A_669, %get3A_672 : vector<16xf32>
          %mul3A_674 = arith.constant 128 : i32
          %mul3A_675 = arith.muli %get3A_654, %mul3A_674 : i32
          %mul3A_676 = arith.constant 16 : i32
          %mul3A_677 = arith.muli %scan3A_661, %mul3A_676 : i32
          %add3A_678 = arith.addi %mul3A_675, %mul3A_677 : i32
          %add3A_679 = vector.broadcast %add3A_678 : i32 to vector<16xi32>
          %add3A_680 = arith.addi %add3A_679, %iota3A : vector<16xi32>
          %le3A = vector.broadcast %scan3A_664 : f32 to vector<16xf32>
          %le3A_681 = arith.cmpf ole, %select_n3A_673, %le3A : vector<16xf32>
          %while3A_682:4 = scf.while (%while3A_683 = %scan3A_662, %while3A_684 = %scan3A_663, %while3A_685 = %scan3A_664, %while3A_686 = %le3A_681) : (vector<16xf32>, vector<16xi32>, f32, vector<16xi1>) -> (vector<16xf32>, vector<16xi32>, f32, vector<16xi1>) {
            %reduce_or3A = arith.constant 1.000000e+00 : f32
            %reduce_or3A_687 = arith.constant 0.000000e+00 : f32
            %reduce_or3A_688 = vector.broadcast %reduce_or3A : f32 to vector<16xf32>
            %reduce_or3A_689 = vector.broadcast %reduce_or3A_687 : f32 to vector<16xf32>
            %reduce_or3A_690 = arith.select %while3A_686, %reduce_or3A_688, %reduce_or3A_689 : vector<16xi1>, vector<16xf32>
            %reduce_or3A_691 = arith.constant true
            %reduce_or3A_692 = vector.broadcast %reduce_or3A_691 : i1 to vector<16xi1>
            %reduce_or3A_693 = tpu.scan <max>, %reduce_or3A_690 masked %reduce_or3A_692 : vector<16xf32>, vector<16xi1> -> vector<16xf32>
            %reduce_or3A_694 = vector.extract %reduce_or3A_693[15] : f32 from vector<16xf32>
            %reduce_or3A_695 = arith.constant 0.000000e+00 : f32
            %reduce_or3A_696 = arith.cmpf ogt, %reduce_or3A_694, %reduce_or3A_695 : f32
            scf.condition(%reduce_or3A_696) %while3A_683, %while3A_684, %while3A_685, %while3A_686 : vector<16xf32>, vector<16xi32>, f32, vector<16xi1>
          } do {
          ^bb0(%while3A_683: vector<16xf32>, %while3A_684: vector<16xi32>, %while3A_685: f32, %while3A_686: vector<16xi1>):
            %all_reduce_ffs3A = tpu.all_reduce %while3A_686 {dim = 0 : i64, kind = #tpu.reduction_kind<find_first_set>} : vector<16xi1> -> vector<16xi32>
            %reduce_max3A_687 = arith.constant true
            %reduce_max3A_688 = vector.broadcast %reduce_max3A_687 : i1 to vector<16xi1>
            %reduce_max3A_689 = arith.constant -2147483648 : i32
            %reduce_max3A_690 = vector.broadcast %reduce_max3A_689 : i32 to vector<16xi32>
            %reduce_max3A_691 = arith.xori %all_reduce_ffs3A, %reduce_max3A_690 : vector<16xi32>
            %reduce_max3A_692 = tpu.scan <max>, %reduce_max3A_691 masked %reduce_max3A_688 : vector<16xi32>, vector<16xi1> -> vector<16xi32>
            %reduce_max3A_693 = arith.xori %reduce_max3A_692, %reduce_max3A_690 : vector<16xi32>
            %reduce_max3A_694 = vector.extract %reduce_max3A_693[15] : i32 from vector<16xi32>
            %eq3A_695 = vector.broadcast %reduce_max3A_694 : i32 to vector<16xi32>
            %eq3A_696 = arith.cmpi eq, %iota3A, %eq3A_695 : vector<16xi32>
            %jit3A_697 = arith.constant 0xFF800000 : f32
            %broadcast_in_dim3A_698 = vector.broadcast %jit3A_697 : f32 to vector<16xf32>
            %select_n3A_699 = arith.select %eq3A_696, %select_n3A_673, %broadcast_in_dim3A_698 : vector<16xi1>, vector<16xf32>
            %reduce_max3A_700 = arith.constant true
            %reduce_max3A_701 = vector.broadcast %reduce_max3A_700 : i1 to vector<16xi1>
            %reduce_max3A_702 = tpu.scan <max>, %select_n3A_699 masked %reduce_max3A_701 : vector<16xf32>, vector<16xi1> -> vector<16xf32>
            %reduce_max3A_703 = vector.extract %reduce_max3A_702[15] : f32 from vector<16xf32>
            %jit3A_704 = arith.constant -2147483648 : i32
            %broadcast_in_dim3A_705 = vector.broadcast %jit3A_704 : i32 to vector<16xi32>
            %select_n3A_706 = arith.select %eq3A_696, %add3A_680, %broadcast_in_dim3A_705 : vector<16xi1>, vector<16xi32>
            %reduce_max3A_707 = arith.constant true
            %reduce_max3A_708 = vector.broadcast %reduce_max3A_707 : i1 to vector<16xi1>
            %reduce_max3A_709 = arith.constant -2147483648 : i32
            %reduce_max3A_710 = vector.broadcast %reduce_max3A_709 : i32 to vector<16xi32>
            %reduce_max3A_711 = arith.xori %select_n3A_706, %reduce_max3A_710 : vector<16xi32>
            %reduce_max3A_712 = tpu.scan <max>, %reduce_max3A_711 masked %reduce_max3A_708 : vector<16xi32>, vector<16xi1> -> vector<16xi32>
            %reduce_max3A_713 = arith.xori %reduce_max3A_712, %reduce_max3A_710 : vector<16xi32>
            %reduce_max3A_714 = vector.extract %reduce_max3A_713[15] : i32 from vector<16xi32>
            %eq3A_715 = vector.broadcast %while3A_685 : f32 to vector<16xf32>
            %eq3A_716 = arith.cmpf oeq, %while3A_683, %eq3A_715 : vector<16xf32>
            %jit3A_717 = arith.constant -2147483648 : i32
            %broadcast_in_dim3A_718 = vector.broadcast %jit3A_717 : i32 to vector<16xi32>
            %select_n3A_719 = arith.select %eq3A_716, %while3A_684, %broadcast_in_dim3A_718 : vector<16xi1>, vector<16xi32>
            %reduce_max3A_720 = arith.constant true
            %reduce_max3A_721 = vector.broadcast %reduce_max3A_720 : i1 to vector<16xi1>
            %reduce_max3A_722 = arith.constant -2147483648 : i32
            %reduce_max3A_723 = vector.broadcast %reduce_max3A_722 : i32 to vector<16xi32>
            %reduce_max3A_724 = arith.xori %select_n3A_719, %reduce_max3A_723 : vector<16xi32>
            %reduce_max3A_725 = tpu.scan <max>, %reduce_max3A_724 masked %reduce_max3A_721 : vector<16xi32>, vector<16xi1> -> vector<16xi32>
            %reduce_max3A_726 = arith.xori %reduce_max3A_725, %reduce_max3A_723 : vector<16xi32>
            %reduce_max3A_727 = vector.extract %reduce_max3A_726[15] : i32 from vector<16xi32>
            %lt3A_728 = arith.cmpf olt, %reduce_max3A_703, %while3A_685 : f32
            %eq3A_729 = arith.cmpf oeq, %reduce_max3A_703, %while3A_685 : f32
            %lt3A_730 = arith.cmpi slt, %reduce_max3A_714, %reduce_max3A_727 : i32
            %and3A_731 = arith.andi %eq3A_729, %lt3A_730 : i1
            %or3A = arith.ori %lt3A_728, %and3A_731 : i1
            %eq3A_732 = vector.broadcast %while3A_685 : f32 to vector<16xf32>
            %eq3A_733 = arith.cmpf oeq, %while3A_683, %eq3A_732 : vector<16xf32>
            %eq3A_734 = vector.broadcast %reduce_max3A_727 : i32 to vector<16xi32>
            %eq3A_735 = arith.cmpi eq, %while3A_684, %eq3A_734 : vector<16xi32>
            %and3A_736 = arith.andi %eq3A_733, %eq3A_735 : vector<16xi1>
            %and3A_737 = vector.broadcast %or3A : i1 to vector<16xi1>
            %and3A_738 = arith.andi %and3A_736, %and3A_737 : vector<16xi1>
            %broadcast_in_dim3A_739 = vector.broadcast %reduce_max3A_703 : f32 to vector<16xf32>
            %select_n3A_740 = arith.select %and3A_738, %broadcast_in_dim3A_739, %while3A_683 : vector<16xi1>, vector<16xf32>
            %broadcast_in_dim3A_741 = vector.broadcast %reduce_max3A_714 : i32 to vector<16xi32>
            %select_n3A_742 = arith.select %and3A_738, %broadcast_in_dim3A_741, %while3A_684 : vector<16xi1>, vector<16xi32>
            %reduce_max3A_743 = arith.constant true
            %reduce_max3A_744 = vector.broadcast %reduce_max3A_743 : i1 to vector<16xi1>
            %reduce_max3A_745 = tpu.scan <max>, %select_n3A_740 masked %reduce_max3A_744 : vector<16xf32>, vector<16xi1> -> vector<16xf32>
            %reduce_max3A_746 = vector.extract %reduce_max3A_745[15] : f32 from vector<16xf32>
            %not3A_747 = arith.constant dense<true> : vector<16xi1>
            %not3A_748 = arith.xori %eq3A_696, %not3A_747 : vector<16xi1>
            %and3A_749 = arith.andi %while3A_686, %not3A_748 : vector<16xi1>
            scf.yield %select_n3A_740, %select_n3A_742, %reduce_max3A_746, %and3A_749 : vector<16xf32>, vector<16xi32>, f32, vector<16xi1>
          }
          scf.yield %while3A_682#0, %while3A_682#1, %while3A_682#2 : vector<16xf32>, vector<16xi32>, f32
        }
        %scan3A_660 = arith.constant 8 : i32
        scf.yield %scan3A_659#0, %scan3A_659#1, %scan3A_659#2 : vector<16xf32>, vector<16xi32>, f32
      }
      %broadcast_in_dim3A_87 = arith.constant 0.000000e+00 : f32
      %broadcast_in_dim3A_88 = vector.broadcast %broadcast_in_dim3A_87 : f32 to vector<16xf32>
      %broadcast_in_dim3A_89 = arith.constant 0 : i32
      %broadcast_in_dim3A_90 = vector.broadcast %broadcast_in_dim3A_89 : i32 to vector<16xi32>
      %reduce_min3A = arith.constant true
      %reduce_min3A_91 = vector.broadcast %reduce_min3A : i1 to vector<16xi1>
      %reduce_min3A_92 = tpu.scan <min>, %while3A_86#0 masked %reduce_min3A_91 : vector<16xf32>, vector<16xi1> -> vector<16xf32>
      %reduce_min3A_93 = vector.extract %reduce_min3A_92[15] : f32 from vector<16xf32>
      %eq3A_94 = vector.broadcast %reduce_min3A_93 : f32 to vector<16xf32>
      %eq3A_95 = arith.cmpf oeq, %while3A_86#0, %eq3A_94 : vector<16xf32>
      %jit3A_96 = arith.constant 2147483647 : i32
      %broadcast_in_dim3A_97 = vector.broadcast %jit3A_96 : i32 to vector<16xi32>
      %select_n3A_98 = arith.select %eq3A_95, %while3A_86#1, %broadcast_in_dim3A_97 : vector<16xi1>, vector<16xi32>
      %reduce_min3A_99 = arith.constant true
      %reduce_min3A_100 = vector.broadcast %reduce_min3A_99 : i1 to vector<16xi1>
      %reduce_min3A_101 = arith.constant -2147483648 : i32
      %reduce_min3A_102 = vector.broadcast %reduce_min3A_101 : i32 to vector<16xi32>
      %reduce_min3A_103 = arith.xori %select_n3A_98, %reduce_min3A_102 : vector<16xi32>
      %reduce_min3A_104 = tpu.scan <min>, %reduce_min3A_103 masked %reduce_min3A_100 : vector<16xi32>, vector<16xi1> -> vector<16xi32>
      %reduce_min3A_105 = arith.xori %reduce_min3A_104, %reduce_min3A_102 : vector<16xi32>
      %reduce_min3A_106 = vector.extract %reduce_min3A_105[15] : i32 from vector<16xi32>
      %eq3A_107 = arith.constant 0 : i32
      %eq3A_108 = vector.broadcast %eq3A_107 : i32 to vector<16xi32>
      %eq3A_109 = arith.cmpi eq, %iota3A, %eq3A_108 : vector<16xi32>
      %broadcast_in_dim3A_110 = vector.broadcast %reduce_min3A_93 : f32 to vector<16xf32>
      %select_n3A_111 = arith.select %eq3A_109, %broadcast_in_dim3A_110, %broadcast_in_dim3A_88 : vector<16xi1>, vector<16xf32>
      %broadcast_in_dim3A_112 = vector.broadcast %reduce_min3A_106 : i32 to vector<16xi32>
      %select_n3A_113 = arith.select %eq3A_109, %broadcast_in_dim3A_112, %broadcast_in_dim3A_90 : vector<16xi1>, vector<16xi32>
      %eq3A_114 = vector.broadcast %reduce_min3A_93 : f32 to vector<16xf32>
      %eq3A_115 = arith.cmpf oeq, %while3A_86#0, %eq3A_114 : vector<16xf32>
      %eq3A_116 = vector.broadcast %reduce_min3A_106 : i32 to vector<16xi32>
      %eq3A_117 = arith.cmpi eq, %while3A_86#1, %eq3A_116 : vector<16xi32>
      %and3A_118 = arith.andi %eq3A_115, %eq3A_117 : vector<16xi1>
      %jit3A_119 = arith.constant 0x7F800000 : f32
      %broadcast_in_dim3A_120 = vector.broadcast %jit3A_119 : f32 to vector<16xf32>
      %select_n3A_121 = arith.select %and3A_118, %broadcast_in_dim3A_120, %while3A_86#0 : vector<16xi1>, vector<16xf32>
      %reduce_min3A_122 = arith.constant true
      %reduce_min3A_123 = vector.broadcast %reduce_min3A_122 : i1 to vector<16xi1>
      %reduce_min3A_124 = tpu.scan <min>, %select_n3A_121 masked %reduce_min3A_123 : vector<16xf32>, vector<16xi1> -> vector<16xf32>
      %reduce_min3A_125 = vector.extract %reduce_min3A_124[15] : f32 from vector<16xf32>
      %eq3A_126 = vector.broadcast %reduce_min3A_125 : f32 to vector<16xf32>
      %eq3A_127 = arith.cmpf oeq, %select_n3A_121, %eq3A_126 : vector<16xf32>
      %jit3A_128 = arith.constant 2147483647 : i32
      %broadcast_in_dim3A_129 = vector.broadcast %jit3A_128 : i32 to vector<16xi32>
      %select_n3A_130 = arith.select %eq3A_127, %while3A_86#1, %broadcast_in_dim3A_129 : vector<16xi1>, vector<16xi32>
      %reduce_min3A_131 = arith.constant true
      %reduce_min3A_132 = vector.broadcast %reduce_min3A_131 : i1 to vector<16xi1>
      %reduce_min3A_133 = arith.constant -2147483648 : i32
      %reduce_min3A_134 = vector.broadcast %reduce_min3A_133 : i32 to vector<16xi32>
      %reduce_min3A_135 = arith.xori %select_n3A_130, %reduce_min3A_134 : vector<16xi32>
      %reduce_min3A_136 = tpu.scan <min>, %reduce_min3A_135 masked %reduce_min3A_132 : vector<16xi32>, vector<16xi1> -> vector<16xi32>
      %reduce_min3A_137 = arith.xori %reduce_min3A_136, %reduce_min3A_134 : vector<16xi32>
      %reduce_min3A_138 = vector.extract %reduce_min3A_137[15] : i32 from vector<16xi32>
      %eq3A_139 = arith.constant 1 : i32
      %eq3A_140 = vector.broadcast %eq3A_139 : i32 to vector<16xi32>
      %eq3A_141 = arith.cmpi eq, %iota3A, %eq3A_140 : vector<16xi32>
      %broadcast_in_dim3A_142 = vector.broadcast %reduce_min3A_125 : f32 to vector<16xf32>
      %select_n3A_143 = arith.select %eq3A_141, %broadcast_in_dim3A_142, %select_n3A_111 : vector<16xi1>, vector<16xf32>
      %broadcast_in_dim3A_144 = vector.broadcast %reduce_min3A_138 : i32 to vector<16xi32>
      %select_n3A_145 = arith.select %eq3A_141, %broadcast_in_dim3A_144, %select_n3A_113 : vector<16xi1>, vector<16xi32>
      %eq3A_146 = vector.broadcast %reduce_min3A_125 : f32 to vector<16xf32>
      %eq3A_147 = arith.cmpf oeq, %select_n3A_121, %eq3A_146 : vector<16xf32>
      %eq3A_148 = vector.broadcast %reduce_min3A_138 : i32 to vector<16xi32>
      %eq3A_149 = arith.cmpi eq, %while3A_86#1, %eq3A_148 : vector<16xi32>
      %and3A_150 = arith.andi %eq3A_147, %eq3A_149 : vector<16xi1>
      %jit3A_151 = arith.constant 0x7F800000 : f32
      %broadcast_in_dim3A_152 = vector.broadcast %jit3A_151 : f32 to vector<16xf32>
      %select_n3A_153 = arith.select %and3A_150, %broadcast_in_dim3A_152, %select_n3A_121 : vector<16xi1>, vector<16xf32>
      %reduce_min3A_154 = arith.constant true
      %reduce_min3A_155 = vector.broadcast %reduce_min3A_154 : i1 to vector<16xi1>
      %reduce_min3A_156 = tpu.scan <min>, %select_n3A_153 masked %reduce_min3A_155 : vector<16xf32>, vector<16xi1> -> vector<16xf32>
      %reduce_min3A_157 = vector.extract %reduce_min3A_156[15] : f32 from vector<16xf32>
      %eq3A_158 = vector.broadcast %reduce_min3A_157 : f32 to vector<16xf32>
      %eq3A_159 = arith.cmpf oeq, %select_n3A_153, %eq3A_158 : vector<16xf32>
      %jit3A_160 = arith.constant 2147483647 : i32
      %broadcast_in_dim3A_161 = vector.broadcast %jit3A_160 : i32 to vector<16xi32>
      %select_n3A_162 = arith.select %eq3A_159, %while3A_86#1, %broadcast_in_dim3A_161 : vector<16xi1>, vector<16xi32>
      %reduce_min3A_163 = arith.constant true
      %reduce_min3A_164 = vector.broadcast %reduce_min3A_163 : i1 to vector<16xi1>
      %reduce_min3A_165 = arith.constant -2147483648 : i32
      %reduce_min3A_166 = vector.broadcast %reduce_min3A_165 : i32 to vector<16xi32>
      %reduce_min3A_167 = arith.xori %select_n3A_162, %reduce_min3A_166 : vector<16xi32>
      %reduce_min3A_168 = tpu.scan <min>, %reduce_min3A_167 masked %reduce_min3A_164 : vector<16xi32>, vector<16xi1> -> vector<16xi32>
      %reduce_min3A_169 = arith.xori %reduce_min3A_168, %reduce_min3A_166 : vector<16xi32>
      %reduce_min3A_170 = vector.extract %reduce_min3A_169[15] : i32 from vector<16xi32>
      %eq3A_171 = arith.constant 2 : i32
      %eq3A_172 = vector.broadcast %eq3A_171 : i32 to vector<16xi32>
      %eq3A_173 = arith.cmpi eq, %iota3A, %eq3A_172 : vector<16xi32>
      %broadcast_in_dim3A_174 = vector.broadcast %reduce_min3A_157 : f32 to vector<16xf32>
      %select_n3A_175 = arith.select %eq3A_173, %broadcast_in_dim3A_174, %select_n3A_143 : vector<16xi1>, vector<16xf32>
      %broadcast_in_dim3A_176 = vector.broadcast %reduce_min3A_170 : i32 to vector<16xi32>
      %select_n3A_177 = arith.select %eq3A_173, %broadcast_in_dim3A_176, %select_n3A_145 : vector<16xi1>, vector<16xi32>
      %eq3A_178 = vector.broadcast %reduce_min3A_157 : f32 to vector<16xf32>
      %eq3A_179 = arith.cmpf oeq, %select_n3A_153, %eq3A_178 : vector<16xf32>
      %eq3A_180 = vector.broadcast %reduce_min3A_170 : i32 to vector<16xi32>
      %eq3A_181 = arith.cmpi eq, %while3A_86#1, %eq3A_180 : vector<16xi32>
      %and3A_182 = arith.andi %eq3A_179, %eq3A_181 : vector<16xi1>
      %jit3A_183 = arith.constant 0x7F800000 : f32
      %broadcast_in_dim3A_184 = vector.broadcast %jit3A_183 : f32 to vector<16xf32>
      %select_n3A_185 = arith.select %and3A_182, %broadcast_in_dim3A_184, %select_n3A_153 : vector<16xi1>, vector<16xf32>
      %reduce_min3A_186 = arith.constant true
      %reduce_min3A_187 = vector.broadcast %reduce_min3A_186 : i1 to vector<16xi1>
      %reduce_min3A_188 = tpu.scan <min>, %select_n3A_185 masked %reduce_min3A_187 : vector<16xf32>, vector<16xi1> -> vector<16xf32>
      %reduce_min3A_189 = vector.extract %reduce_min3A_188[15] : f32 from vector<16xf32>
      %eq3A_190 = vector.broadcast %reduce_min3A_189 : f32 to vector<16xf32>
      %eq3A_191 = arith.cmpf oeq, %select_n3A_185, %eq3A_190 : vector<16xf32>
      %jit3A_192 = arith.constant 2147483647 : i32
      %broadcast_in_dim3A_193 = vector.broadcast %jit3A_192 : i32 to vector<16xi32>
      %select_n3A_194 = arith.select %eq3A_191, %while3A_86#1, %broadcast_in_dim3A_193 : vector<16xi1>, vector<16xi32>
      %reduce_min3A_195 = arith.constant true
      %reduce_min3A_196 = vector.broadcast %reduce_min3A_195 : i1 to vector<16xi1>
      %reduce_min3A_197 = arith.constant -2147483648 : i32
      %reduce_min3A_198 = vector.broadcast %reduce_min3A_197 : i32 to vector<16xi32>
      %reduce_min3A_199 = arith.xori %select_n3A_194, %reduce_min3A_198 : vector<16xi32>
      %reduce_min3A_200 = tpu.scan <min>, %reduce_min3A_199 masked %reduce_min3A_196 : vector<16xi32>, vector<16xi1> -> vector<16xi32>
      %reduce_min3A_201 = arith.xori %reduce_min3A_200, %reduce_min3A_198 : vector<16xi32>
      %reduce_min3A_202 = vector.extract %reduce_min3A_201[15] : i32 from vector<16xi32>
      %eq3A_203 = arith.constant 3 : i32
      %eq3A_204 = vector.broadcast %eq3A_203 : i32 to vector<16xi32>
      %eq3A_205 = arith.cmpi eq, %iota3A, %eq3A_204 : vector<16xi32>
      %broadcast_in_dim3A_206 = vector.broadcast %reduce_min3A_189 : f32 to vector<16xf32>
      %select_n3A_207 = arith.select %eq3A_205, %broadcast_in_dim3A_206, %select_n3A_175 : vector<16xi1>, vector<16xf32>
      %broadcast_in_dim3A_208 = vector.broadcast %reduce_min3A_202 : i32 to vector<16xi32>
      %select_n3A_209 = arith.select %eq3A_205, %broadcast_in_dim3A_208, %select_n3A_177 : vector<16xi1>, vector<16xi32>
      %eq3A_210 = vector.broadcast %reduce_min3A_189 : f32 to vector<16xf32>
      %eq3A_211 = arith.cmpf oeq, %select_n3A_185, %eq3A_210 : vector<16xf32>
      %eq3A_212 = vector.broadcast %reduce_min3A_202 : i32 to vector<16xi32>
      %eq3A_213 = arith.cmpi eq, %while3A_86#1, %eq3A_212 : vector<16xi32>
      %and3A_214 = arith.andi %eq3A_211, %eq3A_213 : vector<16xi1>
      %jit3A_215 = arith.constant 0x7F800000 : f32
      %broadcast_in_dim3A_216 = vector.broadcast %jit3A_215 : f32 to vector<16xf32>
      %select_n3A_217 = arith.select %and3A_214, %broadcast_in_dim3A_216, %select_n3A_185 : vector<16xi1>, vector<16xf32>
      %reduce_min3A_218 = arith.constant true
      %reduce_min3A_219 = vector.broadcast %reduce_min3A_218 : i1 to vector<16xi1>
      %reduce_min3A_220 = tpu.scan <min>, %select_n3A_217 masked %reduce_min3A_219 : vector<16xf32>, vector<16xi1> -> vector<16xf32>
      %reduce_min3A_221 = vector.extract %reduce_min3A_220[15] : f32 from vector<16xf32>
      %eq3A_222 = vector.broadcast %reduce_min3A_221 : f32 to vector<16xf32>
      %eq3A_223 = arith.cmpf oeq, %select_n3A_217, %eq3A_222 : vector<16xf32>
      %jit3A_224 = arith.constant 2147483647 : i32
      %broadcast_in_dim3A_225 = vector.broadcast %jit3A_224 : i32 to vector<16xi32>
      %select_n3A_226 = arith.select %eq3A_223, %while3A_86#1, %broadcast_in_dim3A_225 : vector<16xi1>, vector<16xi32>
      %reduce_min3A_227 = arith.constant true
      %reduce_min3A_228 = vector.broadcast %reduce_min3A_227 : i1 to vector<16xi1>
      %reduce_min3A_229 = arith.constant -2147483648 : i32
      %reduce_min3A_230 = vector.broadcast %reduce_min3A_229 : i32 to vector<16xi32>
      %reduce_min3A_231 = arith.xori %select_n3A_226, %reduce_min3A_230 : vector<16xi32>
      %reduce_min3A_232 = tpu.scan <min>, %reduce_min3A_231 masked %reduce_min3A_228 : vector<16xi32>, vector<16xi1> -> vector<16xi32>
      %reduce_min3A_233 = arith.xori %reduce_min3A_232, %reduce_min3A_230 : vector<16xi32>
      %reduce_min3A_234 = vector.extract %reduce_min3A_233[15] : i32 from vector<16xi32>
      %eq3A_235 = arith.constant 4 : i32
      %eq3A_236 = vector.broadcast %eq3A_235 : i32 to vector<16xi32>
      %eq3A_237 = arith.cmpi eq, %iota3A, %eq3A_236 : vector<16xi32>
      %broadcast_in_dim3A_238 = vector.broadcast %reduce_min3A_221 : f32 to vector<16xf32>
      %select_n3A_239 = arith.select %eq3A_237, %broadcast_in_dim3A_238, %select_n3A_207 : vector<16xi1>, vector<16xf32>
      %broadcast_in_dim3A_240 = vector.broadcast %reduce_min3A_234 : i32 to vector<16xi32>
      %select_n3A_241 = arith.select %eq3A_237, %broadcast_in_dim3A_240, %select_n3A_209 : vector<16xi1>, vector<16xi32>
      %eq3A_242 = vector.broadcast %reduce_min3A_221 : f32 to vector<16xf32>
      %eq3A_243 = arith.cmpf oeq, %select_n3A_217, %eq3A_242 : vector<16xf32>
      %eq3A_244 = vector.broadcast %reduce_min3A_234 : i32 to vector<16xi32>
      %eq3A_245 = arith.cmpi eq, %while3A_86#1, %eq3A_244 : vector<16xi32>
      %and3A_246 = arith.andi %eq3A_243, %eq3A_245 : vector<16xi1>
      %jit3A_247 = arith.constant 0x7F800000 : f32
      %broadcast_in_dim3A_248 = vector.broadcast %jit3A_247 : f32 to vector<16xf32>
      %select_n3A_249 = arith.select %and3A_246, %broadcast_in_dim3A_248, %select_n3A_217 : vector<16xi1>, vector<16xf32>
      %reduce_min3A_250 = arith.constant true
      %reduce_min3A_251 = vector.broadcast %reduce_min3A_250 : i1 to vector<16xi1>
      %reduce_min3A_252 = tpu.scan <min>, %select_n3A_249 masked %reduce_min3A_251 : vector<16xf32>, vector<16xi1> -> vector<16xf32>
      %reduce_min3A_253 = vector.extract %reduce_min3A_252[15] : f32 from vector<16xf32>
      %eq3A_254 = vector.broadcast %reduce_min3A_253 : f32 to vector<16xf32>
      %eq3A_255 = arith.cmpf oeq, %select_n3A_249, %eq3A_254 : vector<16xf32>
      %jit3A_256 = arith.constant 2147483647 : i32
      %broadcast_in_dim3A_257 = vector.broadcast %jit3A_256 : i32 to vector<16xi32>
      %select_n3A_258 = arith.select %eq3A_255, %while3A_86#1, %broadcast_in_dim3A_257 : vector<16xi1>, vector<16xi32>
      %reduce_min3A_259 = arith.constant true
      %reduce_min3A_260 = vector.broadcast %reduce_min3A_259 : i1 to vector<16xi1>
      %reduce_min3A_261 = arith.constant -2147483648 : i32
      %reduce_min3A_262 = vector.broadcast %reduce_min3A_261 : i32 to vector<16xi32>
      %reduce_min3A_263 = arith.xori %select_n3A_258, %reduce_min3A_262 : vector<16xi32>
      %reduce_min3A_264 = tpu.scan <min>, %reduce_min3A_263 masked %reduce_min3A_260 : vector<16xi32>, vector<16xi1> -> vector<16xi32>
      %reduce_min3A_265 = arith.xori %reduce_min3A_264, %reduce_min3A_262 : vector<16xi32>
      %reduce_min3A_266 = vector.extract %reduce_min3A_265[15] : i32 from vector<16xi32>
      %eq3A_267 = arith.constant 5 : i32
      %eq3A_268 = vector.broadcast %eq3A_267 : i32 to vector<16xi32>
      %eq3A_269 = arith.cmpi eq, %iota3A, %eq3A_268 : vector<16xi32>
      %broadcast_in_dim3A_270 = vector.broadcast %reduce_min3A_253 : f32 to vector<16xf32>
      %select_n3A_271 = arith.select %eq3A_269, %broadcast_in_dim3A_270, %select_n3A_239 : vector<16xi1>, vector<16xf32>
      %broadcast_in_dim3A_272 = vector.broadcast %reduce_min3A_266 : i32 to vector<16xi32>
      %select_n3A_273 = arith.select %eq3A_269, %broadcast_in_dim3A_272, %select_n3A_241 : vector<16xi1>, vector<16xi32>
      %eq3A_274 = vector.broadcast %reduce_min3A_253 : f32 to vector<16xf32>
      %eq3A_275 = arith.cmpf oeq, %select_n3A_249, %eq3A_274 : vector<16xf32>
      %eq3A_276 = vector.broadcast %reduce_min3A_266 : i32 to vector<16xi32>
      %eq3A_277 = arith.cmpi eq, %while3A_86#1, %eq3A_276 : vector<16xi32>
      %and3A_278 = arith.andi %eq3A_275, %eq3A_277 : vector<16xi1>
      %jit3A_279 = arith.constant 0x7F800000 : f32
      %broadcast_in_dim3A_280 = vector.broadcast %jit3A_279 : f32 to vector<16xf32>
      %select_n3A_281 = arith.select %and3A_278, %broadcast_in_dim3A_280, %select_n3A_249 : vector<16xi1>, vector<16xf32>
      %reduce_min3A_282 = arith.constant true
      %reduce_min3A_283 = vector.broadcast %reduce_min3A_282 : i1 to vector<16xi1>
      %reduce_min3A_284 = tpu.scan <min>, %select_n3A_281 masked %reduce_min3A_283 : vector<16xf32>, vector<16xi1> -> vector<16xf32>
      %reduce_min3A_285 = vector.extract %reduce_min3A_284[15] : f32 from vector<16xf32>
      %eq3A_286 = vector.broadcast %reduce_min3A_285 : f32 to vector<16xf32>
      %eq3A_287 = arith.cmpf oeq, %select_n3A_281, %eq3A_286 : vector<16xf32>
      %jit3A_288 = arith.constant 2147483647 : i32
      %broadcast_in_dim3A_289 = vector.broadcast %jit3A_288 : i32 to vector<16xi32>
      %select_n3A_290 = arith.select %eq3A_287, %while3A_86#1, %broadcast_in_dim3A_289 : vector<16xi1>, vector<16xi32>
      %reduce_min3A_291 = arith.constant true
      %reduce_min3A_292 = vector.broadcast %reduce_min3A_291 : i1 to vector<16xi1>
      %reduce_min3A_293 = arith.constant -2147483648 : i32
      %reduce_min3A_294 = vector.broadcast %reduce_min3A_293 : i32 to vector<16xi32>
      %reduce_min3A_295 = arith.xori %select_n3A_290, %reduce_min3A_294 : vector<16xi32>
      %reduce_min3A_296 = tpu.scan <min>, %reduce_min3A_295 masked %reduce_min3A_292 : vector<16xi32>, vector<16xi1> -> vector<16xi32>
      %reduce_min3A_297 = arith.xori %reduce_min3A_296, %reduce_min3A_294 : vector<16xi32>
      %reduce_min3A_298 = vector.extract %reduce_min3A_297[15] : i32 from vector<16xi32>
      %eq3A_299 = arith.constant 6 : i32
      %eq3A_300 = vector.broadcast %eq3A_299 : i32 to vector<16xi32>
      %eq3A_301 = arith.cmpi eq, %iota3A, %eq3A_300 : vector<16xi32>
      %broadcast_in_dim3A_302 = vector.broadcast %reduce_min3A_285 : f32 to vector<16xf32>
      %select_n3A_303 = arith.select %eq3A_301, %broadcast_in_dim3A_302, %select_n3A_271 : vector<16xi1>, vector<16xf32>
      %broadcast_in_dim3A_304 = vector.broadcast %reduce_min3A_298 : i32 to vector<16xi32>
      %select_n3A_305 = arith.select %eq3A_301, %broadcast_in_dim3A_304, %select_n3A_273 : vector<16xi1>, vector<16xi32>
      %eq3A_306 = vector.broadcast %reduce_min3A_285 : f32 to vector<16xf32>
      %eq3A_307 = arith.cmpf oeq, %select_n3A_281, %eq3A_306 : vector<16xf32>
      %eq3A_308 = vector.broadcast %reduce_min3A_298 : i32 to vector<16xi32>
      %eq3A_309 = arith.cmpi eq, %while3A_86#1, %eq3A_308 : vector<16xi32>
      %and3A_310 = arith.andi %eq3A_307, %eq3A_309 : vector<16xi1>
      %jit3A_311 = arith.constant 0x7F800000 : f32
      %broadcast_in_dim3A_312 = vector.broadcast %jit3A_311 : f32 to vector<16xf32>
      %select_n3A_313 = arith.select %and3A_310, %broadcast_in_dim3A_312, %select_n3A_281 : vector<16xi1>, vector<16xf32>
      %reduce_min3A_314 = arith.constant true
      %reduce_min3A_315 = vector.broadcast %reduce_min3A_314 : i1 to vector<16xi1>
      %reduce_min3A_316 = tpu.scan <min>, %select_n3A_313 masked %reduce_min3A_315 : vector<16xf32>, vector<16xi1> -> vector<16xf32>
      %reduce_min3A_317 = vector.extract %reduce_min3A_316[15] : f32 from vector<16xf32>
      %eq3A_318 = vector.broadcast %reduce_min3A_317 : f32 to vector<16xf32>
      %eq3A_319 = arith.cmpf oeq, %select_n3A_313, %eq3A_318 : vector<16xf32>
      %jit3A_320 = arith.constant 2147483647 : i32
      %broadcast_in_dim3A_321 = vector.broadcast %jit3A_320 : i32 to vector<16xi32>
      %select_n3A_322 = arith.select %eq3A_319, %while3A_86#1, %broadcast_in_dim3A_321 : vector<16xi1>, vector<16xi32>
      %reduce_min3A_323 = arith.constant true
      %reduce_min3A_324 = vector.broadcast %reduce_min3A_323 : i1 to vector<16xi1>
      %reduce_min3A_325 = arith.constant -2147483648 : i32
      %reduce_min3A_326 = vector.broadcast %reduce_min3A_325 : i32 to vector<16xi32>
      %reduce_min3A_327 = arith.xori %select_n3A_322, %reduce_min3A_326 : vector<16xi32>
      %reduce_min3A_328 = tpu.scan <min>, %reduce_min3A_327 masked %reduce_min3A_324 : vector<16xi32>, vector<16xi1> -> vector<16xi32>
      %reduce_min3A_329 = arith.xori %reduce_min3A_328, %reduce_min3A_326 : vector<16xi32>
      %reduce_min3A_330 = vector.extract %reduce_min3A_329[15] : i32 from vector<16xi32>
      %eq3A_331 = arith.constant 7 : i32
      %eq3A_332 = vector.broadcast %eq3A_331 : i32 to vector<16xi32>
      %eq3A_333 = arith.cmpi eq, %iota3A, %eq3A_332 : vector<16xi32>
      %broadcast_in_dim3A_334 = vector.broadcast %reduce_min3A_317 : f32 to vector<16xf32>
      %select_n3A_335 = arith.select %eq3A_333, %broadcast_in_dim3A_334, %select_n3A_303 : vector<16xi1>, vector<16xf32>
      %broadcast_in_dim3A_336 = vector.broadcast %reduce_min3A_330 : i32 to vector<16xi32>
      %select_n3A_337 = arith.select %eq3A_333, %broadcast_in_dim3A_336, %select_n3A_305 : vector<16xi1>, vector<16xi32>
      %eq3A_338 = vector.broadcast %reduce_min3A_317 : f32 to vector<16xf32>
      %eq3A_339 = arith.cmpf oeq, %select_n3A_313, %eq3A_338 : vector<16xf32>
      %eq3A_340 = vector.broadcast %reduce_min3A_330 : i32 to vector<16xi32>
      %eq3A_341 = arith.cmpi eq, %while3A_86#1, %eq3A_340 : vector<16xi32>
      %and3A_342 = arith.andi %eq3A_339, %eq3A_341 : vector<16xi1>
      %jit3A_343 = arith.constant 0x7F800000 : f32
      %broadcast_in_dim3A_344 = vector.broadcast %jit3A_343 : f32 to vector<16xf32>
      %select_n3A_345 = arith.select %and3A_342, %broadcast_in_dim3A_344, %select_n3A_313 : vector<16xi1>, vector<16xf32>
      %reduce_min3A_346 = arith.constant true
      %reduce_min3A_347 = vector.broadcast %reduce_min3A_346 : i1 to vector<16xi1>
      %reduce_min3A_348 = tpu.scan <min>, %select_n3A_345 masked %reduce_min3A_347 : vector<16xf32>, vector<16xi1> -> vector<16xf32>
      %reduce_min3A_349 = vector.extract %reduce_min3A_348[15] : f32 from vector<16xf32>
      %eq3A_350 = vector.broadcast %reduce_min3A_349 : f32 to vector<16xf32>
      %eq3A_351 = arith.cmpf oeq, %select_n3A_345, %eq3A_350 : vector<16xf32>
      %jit3A_352 = arith.constant 2147483647 : i32
      %broadcast_in_dim3A_353 = vector.broadcast %jit3A_352 : i32 to vector<16xi32>
      %select_n3A_354 = arith.select %eq3A_351, %while3A_86#1, %broadcast_in_dim3A_353 : vector<16xi1>, vector<16xi32>
      %reduce_min3A_355 = arith.constant true
      %reduce_min3A_356 = vector.broadcast %reduce_min3A_355 : i1 to vector<16xi1>
      %reduce_min3A_357 = arith.constant -2147483648 : i32
      %reduce_min3A_358 = vector.broadcast %reduce_min3A_357 : i32 to vector<16xi32>
      %reduce_min3A_359 = arith.xori %select_n3A_354, %reduce_min3A_358 : vector<16xi32>
      %reduce_min3A_360 = tpu.scan <min>, %reduce_min3A_359 masked %reduce_min3A_356 : vector<16xi32>, vector<16xi1> -> vector<16xi32>
      %reduce_min3A_361 = arith.xori %reduce_min3A_360, %reduce_min3A_358 : vector<16xi32>
      %reduce_min3A_362 = vector.extract %reduce_min3A_361[15] : i32 from vector<16xi32>
      %eq3A_363 = arith.constant 8 : i32
      %eq3A_364 = vector.broadcast %eq3A_363 : i32 to vector<16xi32>
      %eq3A_365 = arith.cmpi eq, %iota3A, %eq3A_364 : vector<16xi32>
      %broadcast_in_dim3A_366 = vector.broadcast %reduce_min3A_349 : f32 to vector<16xf32>
      %select_n3A_367 = arith.select %eq3A_365, %broadcast_in_dim3A_366, %select_n3A_335 : vector<16xi1>, vector<16xf32>
      %broadcast_in_dim3A_368 = vector.broadcast %reduce_min3A_362 : i32 to vector<16xi32>
      %select_n3A_369 = arith.select %eq3A_365, %broadcast_in_dim3A_368, %select_n3A_337 : vector<16xi1>, vector<16xi32>
      %eq3A_370 = vector.broadcast %reduce_min3A_349 : f32 to vector<16xf32>
      %eq3A_371 = arith.cmpf oeq, %select_n3A_345, %eq3A_370 : vector<16xf32>
      %eq3A_372 = vector.broadcast %reduce_min3A_362 : i32 to vector<16xi32>
      %eq3A_373 = arith.cmpi eq, %while3A_86#1, %eq3A_372 : vector<16xi32>
      %and3A_374 = arith.andi %eq3A_371, %eq3A_373 : vector<16xi1>
      %jit3A_375 = arith.constant 0x7F800000 : f32
      %broadcast_in_dim3A_376 = vector.broadcast %jit3A_375 : f32 to vector<16xf32>
      %select_n3A_377 = arith.select %and3A_374, %broadcast_in_dim3A_376, %select_n3A_345 : vector<16xi1>, vector<16xf32>
      %reduce_min3A_378 = arith.constant true
      %reduce_min3A_379 = vector.broadcast %reduce_min3A_378 : i1 to vector<16xi1>
      %reduce_min3A_380 = tpu.scan <min>, %select_n3A_377 masked %reduce_min3A_379 : vector<16xf32>, vector<16xi1> -> vector<16xf32>
      %reduce_min3A_381 = vector.extract %reduce_min3A_380[15] : f32 from vector<16xf32>
      %eq3A_382 = vector.broadcast %reduce_min3A_381 : f32 to vector<16xf32>
      %eq3A_383 = arith.cmpf oeq, %select_n3A_377, %eq3A_382 : vector<16xf32>
      %jit3A_384 = arith.constant 2147483647 : i32
      %broadcast_in_dim3A_385 = vector.broadcast %jit3A_384 : i32 to vector<16xi32>
      %select_n3A_386 = arith.select %eq3A_383, %while3A_86#1, %broadcast_in_dim3A_385 : vector<16xi1>, vector<16xi32>
      %reduce_min3A_387 = arith.constant true
      %reduce_min3A_388 = vector.broadcast %reduce_min3A_387 : i1 to vector<16xi1>
      %reduce_min3A_389 = arith.constant -2147483648 : i32
      %reduce_min3A_390 = vector.broadcast %reduce_min3A_389 : i32 to vector<16xi32>
      %reduce_min3A_391 = arith.xori %select_n3A_386, %reduce_min3A_390 : vector<16xi32>
      %reduce_min3A_392 = tpu.scan <min>, %reduce_min3A_391 masked %reduce_min3A_388 : vector<16xi32>, vector<16xi1> -> vector<16xi32>
      %reduce_min3A_393 = arith.xori %reduce_min3A_392, %reduce_min3A_390 : vector<16xi32>
      %reduce_min3A_394 = vector.extract %reduce_min3A_393[15] : i32 from vector<16xi32>
      %eq3A_395 = arith.constant 9 : i32
      %eq3A_396 = vector.broadcast %eq3A_395 : i32 to vector<16xi32>
      %eq3A_397 = arith.cmpi eq, %iota3A, %eq3A_396 : vector<16xi32>
      %broadcast_in_dim3A_398 = vector.broadcast %reduce_min3A_381 : f32 to vector<16xf32>
      %select_n3A_399 = arith.select %eq3A_397, %broadcast_in_dim3A_398, %select_n3A_367 : vector<16xi1>, vector<16xf32>
      %broadcast_in_dim3A_400 = vector.broadcast %reduce_min3A_394 : i32 to vector<16xi32>
      %select_n3A_401 = arith.select %eq3A_397, %broadcast_in_dim3A_400, %select_n3A_369 : vector<16xi1>, vector<16xi32>
      %eq3A_402 = vector.broadcast %reduce_min3A_381 : f32 to vector<16xf32>
      %eq3A_403 = arith.cmpf oeq, %select_n3A_377, %eq3A_402 : vector<16xf32>
      %eq3A_404 = vector.broadcast %reduce_min3A_394 : i32 to vector<16xi32>
      %eq3A_405 = arith.cmpi eq, %while3A_86#1, %eq3A_404 : vector<16xi32>
      %and3A_406 = arith.andi %eq3A_403, %eq3A_405 : vector<16xi1>
      %jit3A_407 = arith.constant 0x7F800000 : f32
      %broadcast_in_dim3A_408 = vector.broadcast %jit3A_407 : f32 to vector<16xf32>
      %select_n3A_409 = arith.select %and3A_406, %broadcast_in_dim3A_408, %select_n3A_377 : vector<16xi1>, vector<16xf32>
      %reduce_min3A_410 = arith.constant true
      %reduce_min3A_411 = vector.broadcast %reduce_min3A_410 : i1 to vector<16xi1>
      %reduce_min3A_412 = tpu.scan <min>, %select_n3A_409 masked %reduce_min3A_411 : vector<16xf32>, vector<16xi1> -> vector<16xf32>
      %reduce_min3A_413 = vector.extract %reduce_min3A_412[15] : f32 from vector<16xf32>
      %eq3A_414 = vector.broadcast %reduce_min3A_413 : f32 to vector<16xf32>
      %eq3A_415 = arith.cmpf oeq, %select_n3A_409, %eq3A_414 : vector<16xf32>
      %jit3A_416 = arith.constant 2147483647 : i32
      %broadcast_in_dim3A_417 = vector.broadcast %jit3A_416 : i32 to vector<16xi32>
      %select_n3A_418 = arith.select %eq3A_415, %while3A_86#1, %broadcast_in_dim3A_417 : vector<16xi1>, vector<16xi32>
      %reduce_min3A_419 = arith.constant true
      %reduce_min3A_420 = vector.broadcast %reduce_min3A_419 : i1 to vector<16xi1>
      %reduce_min3A_421 = arith.constant -2147483648 : i32
      %reduce_min3A_422 = vector.broadcast %reduce_min3A_421 : i32 to vector<16xi32>
      %reduce_min3A_423 = arith.xori %select_n3A_418, %reduce_min3A_422 : vector<16xi32>
      %reduce_min3A_424 = tpu.scan <min>, %reduce_min3A_423 masked %reduce_min3A_420 : vector<16xi32>, vector<16xi1> -> vector<16xi32>
      %reduce_min3A_425 = arith.xori %reduce_min3A_424, %reduce_min3A_422 : vector<16xi32>
      %reduce_min3A_426 = vector.extract %reduce_min3A_425[15] : i32 from vector<16xi32>
      %eq3A_427 = arith.constant 10 : i32
      %eq3A_428 = vector.broadcast %eq3A_427 : i32 to vector<16xi32>
      %eq3A_429 = arith.cmpi eq, %iota3A, %eq3A_428 : vector<16xi32>
      %broadcast_in_dim3A_430 = vector.broadcast %reduce_min3A_413 : f32 to vector<16xf32>
      %select_n3A_431 = arith.select %eq3A_429, %broadcast_in_dim3A_430, %select_n3A_399 : vector<16xi1>, vector<16xf32>
      %broadcast_in_dim3A_432 = vector.broadcast %reduce_min3A_426 : i32 to vector<16xi32>
      %select_n3A_433 = arith.select %eq3A_429, %broadcast_in_dim3A_432, %select_n3A_401 : vector<16xi1>, vector<16xi32>
      %eq3A_434 = vector.broadcast %reduce_min3A_413 : f32 to vector<16xf32>
      %eq3A_435 = arith.cmpf oeq, %select_n3A_409, %eq3A_434 : vector<16xf32>
      %eq3A_436 = vector.broadcast %reduce_min3A_426 : i32 to vector<16xi32>
      %eq3A_437 = arith.cmpi eq, %while3A_86#1, %eq3A_436 : vector<16xi32>
      %and3A_438 = arith.andi %eq3A_435, %eq3A_437 : vector<16xi1>
      %jit3A_439 = arith.constant 0x7F800000 : f32
      %broadcast_in_dim3A_440 = vector.broadcast %jit3A_439 : f32 to vector<16xf32>
      %select_n3A_441 = arith.select %and3A_438, %broadcast_in_dim3A_440, %select_n3A_409 : vector<16xi1>, vector<16xf32>
      %reduce_min3A_442 = arith.constant true
      %reduce_min3A_443 = vector.broadcast %reduce_min3A_442 : i1 to vector<16xi1>
      %reduce_min3A_444 = tpu.scan <min>, %select_n3A_441 masked %reduce_min3A_443 : vector<16xf32>, vector<16xi1> -> vector<16xf32>
      %reduce_min3A_445 = vector.extract %reduce_min3A_444[15] : f32 from vector<16xf32>
      %eq3A_446 = vector.broadcast %reduce_min3A_445 : f32 to vector<16xf32>
      %eq3A_447 = arith.cmpf oeq, %select_n3A_441, %eq3A_446 : vector<16xf32>
      %jit3A_448 = arith.constant 2147483647 : i32
      %broadcast_in_dim3A_449 = vector.broadcast %jit3A_448 : i32 to vector<16xi32>
      %select_n3A_450 = arith.select %eq3A_447, %while3A_86#1, %broadcast_in_dim3A_449 : vector<16xi1>, vector<16xi32>
      %reduce_min3A_451 = arith.constant true
      %reduce_min3A_452 = vector.broadcast %reduce_min3A_451 : i1 to vector<16xi1>
      %reduce_min3A_453 = arith.constant -2147483648 : i32
      %reduce_min3A_454 = vector.broadcast %reduce_min3A_453 : i32 to vector<16xi32>
      %reduce_min3A_455 = arith.xori %select_n3A_450, %reduce_min3A_454 : vector<16xi32>
      %reduce_min3A_456 = tpu.scan <min>, %reduce_min3A_455 masked %reduce_min3A_452 : vector<16xi32>, vector<16xi1> -> vector<16xi32>
      %reduce_min3A_457 = arith.xori %reduce_min3A_456, %reduce_min3A_454 : vector<16xi32>
      %reduce_min3A_458 = vector.extract %reduce_min3A_457[15] : i32 from vector<16xi32>
      %eq3A_459 = arith.constant 11 : i32
      %eq3A_460 = vector.broadcast %eq3A_459 : i32 to vector<16xi32>
      %eq3A_461 = arith.cmpi eq, %iota3A, %eq3A_460 : vector<16xi32>
      %broadcast_in_dim3A_462 = vector.broadcast %reduce_min3A_445 : f32 to vector<16xf32>
      %select_n3A_463 = arith.select %eq3A_461, %broadcast_in_dim3A_462, %select_n3A_431 : vector<16xi1>, vector<16xf32>
      %broadcast_in_dim3A_464 = vector.broadcast %reduce_min3A_458 : i32 to vector<16xi32>
      %select_n3A_465 = arith.select %eq3A_461, %broadcast_in_dim3A_464, %select_n3A_433 : vector<16xi1>, vector<16xi32>
      %eq3A_466 = vector.broadcast %reduce_min3A_445 : f32 to vector<16xf32>
      %eq3A_467 = arith.cmpf oeq, %select_n3A_441, %eq3A_466 : vector<16xf32>
      %eq3A_468 = vector.broadcast %reduce_min3A_458 : i32 to vector<16xi32>
      %eq3A_469 = arith.cmpi eq, %while3A_86#1, %eq3A_468 : vector<16xi32>
      %and3A_470 = arith.andi %eq3A_467, %eq3A_469 : vector<16xi1>
      %jit3A_471 = arith.constant 0x7F800000 : f32
      %broadcast_in_dim3A_472 = vector.broadcast %jit3A_471 : f32 to vector<16xf32>
      %select_n3A_473 = arith.select %and3A_470, %broadcast_in_dim3A_472, %select_n3A_441 : vector<16xi1>, vector<16xf32>
      %reduce_min3A_474 = arith.constant true
      %reduce_min3A_475 = vector.broadcast %reduce_min3A_474 : i1 to vector<16xi1>
      %reduce_min3A_476 = tpu.scan <min>, %select_n3A_473 masked %reduce_min3A_475 : vector<16xf32>, vector<16xi1> -> vector<16xf32>
      %reduce_min3A_477 = vector.extract %reduce_min3A_476[15] : f32 from vector<16xf32>
      %eq3A_478 = vector.broadcast %reduce_min3A_477 : f32 to vector<16xf32>
      %eq3A_479 = arith.cmpf oeq, %select_n3A_473, %eq3A_478 : vector<16xf32>
      %jit3A_480 = arith.constant 2147483647 : i32
      %broadcast_in_dim3A_481 = vector.broadcast %jit3A_480 : i32 to vector<16xi32>
      %select_n3A_482 = arith.select %eq3A_479, %while3A_86#1, %broadcast_in_dim3A_481 : vector<16xi1>, vector<16xi32>
      %reduce_min3A_483 = arith.constant true
      %reduce_min3A_484 = vector.broadcast %reduce_min3A_483 : i1 to vector<16xi1>
      %reduce_min3A_485 = arith.constant -2147483648 : i32
      %reduce_min3A_486 = vector.broadcast %reduce_min3A_485 : i32 to vector<16xi32>
      %reduce_min3A_487 = arith.xori %select_n3A_482, %reduce_min3A_486 : vector<16xi32>
      %reduce_min3A_488 = tpu.scan <min>, %reduce_min3A_487 masked %reduce_min3A_484 : vector<16xi32>, vector<16xi1> -> vector<16xi32>
      %reduce_min3A_489 = arith.xori %reduce_min3A_488, %reduce_min3A_486 : vector<16xi32>
      %reduce_min3A_490 = vector.extract %reduce_min3A_489[15] : i32 from vector<16xi32>
      %eq3A_491 = arith.constant 12 : i32
      %eq3A_492 = vector.broadcast %eq3A_491 : i32 to vector<16xi32>
      %eq3A_493 = arith.cmpi eq, %iota3A, %eq3A_492 : vector<16xi32>
      %broadcast_in_dim3A_494 = vector.broadcast %reduce_min3A_477 : f32 to vector<16xf32>
      %select_n3A_495 = arith.select %eq3A_493, %broadcast_in_dim3A_494, %select_n3A_463 : vector<16xi1>, vector<16xf32>
      %broadcast_in_dim3A_496 = vector.broadcast %reduce_min3A_490 : i32 to vector<16xi32>
      %select_n3A_497 = arith.select %eq3A_493, %broadcast_in_dim3A_496, %select_n3A_465 : vector<16xi1>, vector<16xi32>
      %eq3A_498 = vector.broadcast %reduce_min3A_477 : f32 to vector<16xf32>
      %eq3A_499 = arith.cmpf oeq, %select_n3A_473, %eq3A_498 : vector<16xf32>
      %eq3A_500 = vector.broadcast %reduce_min3A_490 : i32 to vector<16xi32>
      %eq3A_501 = arith.cmpi eq, %while3A_86#1, %eq3A_500 : vector<16xi32>
      %and3A_502 = arith.andi %eq3A_499, %eq3A_501 : vector<16xi1>
      %jit3A_503 = arith.constant 0x7F800000 : f32
      %broadcast_in_dim3A_504 = vector.broadcast %jit3A_503 : f32 to vector<16xf32>
      %select_n3A_505 = arith.select %and3A_502, %broadcast_in_dim3A_504, %select_n3A_473 : vector<16xi1>, vector<16xf32>
      %reduce_min3A_506 = arith.constant true
      %reduce_min3A_507 = vector.broadcast %reduce_min3A_506 : i1 to vector<16xi1>
      %reduce_min3A_508 = tpu.scan <min>, %select_n3A_505 masked %reduce_min3A_507 : vector<16xf32>, vector<16xi1> -> vector<16xf32>
      %reduce_min3A_509 = vector.extract %reduce_min3A_508[15] : f32 from vector<16xf32>
      %eq3A_510 = vector.broadcast %reduce_min3A_509 : f32 to vector<16xf32>
      %eq3A_511 = arith.cmpf oeq, %select_n3A_505, %eq3A_510 : vector<16xf32>
      %jit3A_512 = arith.constant 2147483647 : i32
      %broadcast_in_dim3A_513 = vector.broadcast %jit3A_512 : i32 to vector<16xi32>
      %select_n3A_514 = arith.select %eq3A_511, %while3A_86#1, %broadcast_in_dim3A_513 : vector<16xi1>, vector<16xi32>
      %reduce_min3A_515 = arith.constant true
      %reduce_min3A_516 = vector.broadcast %reduce_min3A_515 : i1 to vector<16xi1>
      %reduce_min3A_517 = arith.constant -2147483648 : i32
      %reduce_min3A_518 = vector.broadcast %reduce_min3A_517 : i32 to vector<16xi32>
      %reduce_min3A_519 = arith.xori %select_n3A_514, %reduce_min3A_518 : vector<16xi32>
      %reduce_min3A_520 = tpu.scan <min>, %reduce_min3A_519 masked %reduce_min3A_516 : vector<16xi32>, vector<16xi1> -> vector<16xi32>
      %reduce_min3A_521 = arith.xori %reduce_min3A_520, %reduce_min3A_518 : vector<16xi32>
      %reduce_min3A_522 = vector.extract %reduce_min3A_521[15] : i32 from vector<16xi32>
      %eq3A_523 = arith.constant 13 : i32
      %eq3A_524 = vector.broadcast %eq3A_523 : i32 to vector<16xi32>
      %eq3A_525 = arith.cmpi eq, %iota3A, %eq3A_524 : vector<16xi32>
      %broadcast_in_dim3A_526 = vector.broadcast %reduce_min3A_509 : f32 to vector<16xf32>
      %select_n3A_527 = arith.select %eq3A_525, %broadcast_in_dim3A_526, %select_n3A_495 : vector<16xi1>, vector<16xf32>
      %broadcast_in_dim3A_528 = vector.broadcast %reduce_min3A_522 : i32 to vector<16xi32>
      %select_n3A_529 = arith.select %eq3A_525, %broadcast_in_dim3A_528, %select_n3A_497 : vector<16xi1>, vector<16xi32>
      %eq3A_530 = vector.broadcast %reduce_min3A_509 : f32 to vector<16xf32>
      %eq3A_531 = arith.cmpf oeq, %select_n3A_505, %eq3A_530 : vector<16xf32>
      %eq3A_532 = vector.broadcast %reduce_min3A_522 : i32 to vector<16xi32>
      %eq3A_533 = arith.cmpi eq, %while3A_86#1, %eq3A_532 : vector<16xi32>
      %and3A_534 = arith.andi %eq3A_531, %eq3A_533 : vector<16xi1>
      %jit3A_535 = arith.constant 0x7F800000 : f32
      %broadcast_in_dim3A_536 = vector.broadcast %jit3A_535 : f32 to vector<16xf32>
      %select_n3A_537 = arith.select %and3A_534, %broadcast_in_dim3A_536, %select_n3A_505 : vector<16xi1>, vector<16xf32>
      %reduce_min3A_538 = arith.constant true
      %reduce_min3A_539 = vector.broadcast %reduce_min3A_538 : i1 to vector<16xi1>
      %reduce_min3A_540 = tpu.scan <min>, %select_n3A_537 masked %reduce_min3A_539 : vector<16xf32>, vector<16xi1> -> vector<16xf32>
      %reduce_min3A_541 = vector.extract %reduce_min3A_540[15] : f32 from vector<16xf32>
      %eq3A_542 = vector.broadcast %reduce_min3A_541 : f32 to vector<16xf32>
      %eq3A_543 = arith.cmpf oeq, %select_n3A_537, %eq3A_542 : vector<16xf32>
      %jit3A_544 = arith.constant 2147483647 : i32
      %broadcast_in_dim3A_545 = vector.broadcast %jit3A_544 : i32 to vector<16xi32>
      %select_n3A_546 = arith.select %eq3A_543, %while3A_86#1, %broadcast_in_dim3A_545 : vector<16xi1>, vector<16xi32>
      %reduce_min3A_547 = arith.constant true
      %reduce_min3A_548 = vector.broadcast %reduce_min3A_547 : i1 to vector<16xi1>
      %reduce_min3A_549 = arith.constant -2147483648 : i32
      %reduce_min3A_550 = vector.broadcast %reduce_min3A_549 : i32 to vector<16xi32>
      %reduce_min3A_551 = arith.xori %select_n3A_546, %reduce_min3A_550 : vector<16xi32>
      %reduce_min3A_552 = tpu.scan <min>, %reduce_min3A_551 masked %reduce_min3A_548 : vector<16xi32>, vector<16xi1> -> vector<16xi32>
      %reduce_min3A_553 = arith.xori %reduce_min3A_552, %reduce_min3A_550 : vector<16xi32>
      %reduce_min3A_554 = vector.extract %reduce_min3A_553[15] : i32 from vector<16xi32>
      %eq3A_555 = arith.constant 14 : i32
      %eq3A_556 = vector.broadcast %eq3A_555 : i32 to vector<16xi32>
      %eq3A_557 = arith.cmpi eq, %iota3A, %eq3A_556 : vector<16xi32>
      %broadcast_in_dim3A_558 = vector.broadcast %reduce_min3A_541 : f32 to vector<16xf32>
      %select_n3A_559 = arith.select %eq3A_557, %broadcast_in_dim3A_558, %select_n3A_527 : vector<16xi1>, vector<16xf32>
      %broadcast_in_dim3A_560 = vector.broadcast %reduce_min3A_554 : i32 to vector<16xi32>
      %select_n3A_561 = arith.select %eq3A_557, %broadcast_in_dim3A_560, %select_n3A_529 : vector<16xi1>, vector<16xi32>
      %eq3A_562 = vector.broadcast %reduce_min3A_541 : f32 to vector<16xf32>
      %eq3A_563 = arith.cmpf oeq, %select_n3A_537, %eq3A_562 : vector<16xf32>
      %eq3A_564 = vector.broadcast %reduce_min3A_554 : i32 to vector<16xi32>
      %eq3A_565 = arith.cmpi eq, %while3A_86#1, %eq3A_564 : vector<16xi32>
      %and3A_566 = arith.andi %eq3A_563, %eq3A_565 : vector<16xi1>
      %jit3A_567 = arith.constant 0x7F800000 : f32
      %broadcast_in_dim3A_568 = vector.broadcast %jit3A_567 : f32 to vector<16xf32>
      %select_n3A_569 = arith.select %and3A_566, %broadcast_in_dim3A_568, %select_n3A_537 : vector<16xi1>, vector<16xf32>
      %reduce_min3A_570 = arith.constant true
      %reduce_min3A_571 = vector.broadcast %reduce_min3A_570 : i1 to vector<16xi1>
      %reduce_min3A_572 = tpu.scan <min>, %select_n3A_569 masked %reduce_min3A_571 : vector<16xf32>, vector<16xi1> -> vector<16xf32>
      %reduce_min3A_573 = vector.extract %reduce_min3A_572[15] : f32 from vector<16xf32>
      %eq3A_574 = vector.broadcast %reduce_min3A_573 : f32 to vector<16xf32>
      %eq3A_575 = arith.cmpf oeq, %select_n3A_569, %eq3A_574 : vector<16xf32>
      %jit3A_576 = arith.constant 2147483647 : i32
      %broadcast_in_dim3A_577 = vector.broadcast %jit3A_576 : i32 to vector<16xi32>
      %select_n3A_578 = arith.select %eq3A_575, %while3A_86#1, %broadcast_in_dim3A_577 : vector<16xi1>, vector<16xi32>
      %reduce_min3A_579 = arith.constant true
      %reduce_min3A_580 = vector.broadcast %reduce_min3A_579 : i1 to vector<16xi1>
      %reduce_min3A_581 = arith.constant -2147483648 : i32
      %reduce_min3A_582 = vector.broadcast %reduce_min3A_581 : i32 to vector<16xi32>
      %reduce_min3A_583 = arith.xori %select_n3A_578, %reduce_min3A_582 : vector<16xi32>
      %reduce_min3A_584 = tpu.scan <min>, %reduce_min3A_583 masked %reduce_min3A_580 : vector<16xi32>, vector<16xi1> -> vector<16xi32>
      %reduce_min3A_585 = arith.xori %reduce_min3A_584, %reduce_min3A_582 : vector<16xi32>
      %reduce_min3A_586 = vector.extract %reduce_min3A_585[15] : i32 from vector<16xi32>
      %eq3A_587 = arith.constant 15 : i32
      %eq3A_588 = vector.broadcast %eq3A_587 : i32 to vector<16xi32>
      %eq3A_589 = arith.cmpi eq, %iota3A, %eq3A_588 : vector<16xi32>
      %broadcast_in_dim3A_590 = vector.broadcast %reduce_min3A_573 : f32 to vector<16xf32>
      %select_n3A_591 = arith.select %eq3A_589, %broadcast_in_dim3A_590, %select_n3A_559 : vector<16xi1>, vector<16xf32>
      %broadcast_in_dim3A_592 = vector.broadcast %reduce_min3A_586 : i32 to vector<16xi32>
      %select_n3A_593 = arith.select %eq3A_589, %broadcast_in_dim3A_592, %select_n3A_561 : vector<16xi1>, vector<16xi32>
      %eq3A_594 = vector.broadcast %reduce_min3A_573 : f32 to vector<16xf32>
      %eq3A_595 = arith.cmpf oeq, %select_n3A_569, %eq3A_594 : vector<16xf32>
      %eq3A_596 = vector.broadcast %reduce_min3A_586 : i32 to vector<16xi32>
      %eq3A_597 = arith.cmpi eq, %while3A_86#1, %eq3A_596 : vector<16xi32>
      %and3A_598 = arith.andi %eq3A_595, %eq3A_597 : vector<16xi1>
      %jit3A_599 = arith.constant 0x7F800000 : f32
      %broadcast_in_dim3A_600 = vector.broadcast %jit3A_599 : f32 to vector<16xf32>
      %select_n3A_601 = arith.select %and3A_598, %broadcast_in_dim3A_600, %select_n3A_569 : vector<16xi1>, vector<16xf32>
      %swap3A = arith.constant 0 : index
      %swap3A_602 = tpu.vector_load %arg10[%swap3A] {strides = array<i32>} : memref<16xf32, #tpu.memory_space<vmem>>, vector<16xf32>,
      tpu.vector_store %arg10[%swap3A], %select_n3A_591 {strides = array<i32>} : memref<16xf32, #tpu.memory_space<vmem>>, vector<16xf32>,
      %swap3A_603 = arith.constant 0 : index
      %swap3A_604 = tpu.vector_load %arg11[%swap3A_603] {strides = array<i32>} : memref<16xi32, #tpu.memory_space<vmem>>, vector<16xi32>,
      tpu.vector_store %arg11[%swap3A_603], %select_n3A_593 {strides = array<i32>} : memref<16xi32, #tpu.memory_space<vmem>>, vector<16xi32>,
      %mul3A_605 = arith.constant 16 : i32
      %mul3A_606 = arith.muli %add3A_12, %mul3A_605 : i32
      "tpu.region"() ({
        %run_scoped3A = tpu.sem_alloc : memref<!tpu.dma_semaphore, #tpu.memory_space<semaphore_mem>>
        %dma_start3A_610 = tpu.memref_slice %arg4[%mul3A_606] : memref<16384xf32, #tpu.memory_space<hbm>> -> memref<16xf32, #tpu.memory_space<hbm>>
        %dma_start3A_611 = tpu.memref_slice %arg4[%mul3A_606] : memref<16384xf32, #tpu.memory_space<hbm>> -> memref<16xf32, #tpu.memory_space<hbm>>
        tpu.enqueue_dma source(%arg10 : memref<16xf32, #tpu.memory_space<vmem>>) target(%dma_start3A_611 : memref<16xf32, #tpu.memory_space<hbm>>) target_semaphore(%run_scoped3A : memref<!tpu.dma_semaphore, #tpu.memory_space<semaphore_mem>>)
        %dma_wait3A = tpu.memref_slice %arg4[%mul3A_606] : memref<16384xf32, #tpu.memory_space<hbm>> -> memref<16xf32, #tpu.memory_space<hbm>>
        %dma_wait3A_612 = tpu.memref_slice %arg4[%mul3A_606] : memref<16384xf32, #tpu.memory_space<hbm>> -> memref<16xf32, #tpu.memory_space<hbm>>
        tpu.wait_dma2 semaphore(%run_scoped3A : memref<!tpu.dma_semaphore, #tpu.memory_space<semaphore_mem>>) src(%arg10 : memref<16xf32, #tpu.memory_space<vmem>>) dst(%dma_wait3A_612 : memref<16xf32, #tpu.memory_space<hbm>>)
        tpu.yield
      }) : () -> ()
      %mul3A_607 = arith.constant 16 : i32
      %mul3A_608 = arith.muli %add3A_12, %mul3A_607 : i32
      "tpu.region"() ({
        %run_scoped3A = tpu.sem_alloc : memref<!tpu.dma_semaphore, #tpu.memory_space<semaphore_mem>>
        %dma_start3A_610 = tpu.memref_slice %arg5[%mul3A_608] : memref<16384xi32, #tpu.memory_space<hbm>> -> memref<16xi32, #tpu.memory_space<hbm>>
        %dma_start3A_611 = tpu.memref_slice %arg5[%mul3A_608] : memref<16384xi32, #tpu.memory_space<hbm>> -> memref<16xi32, #tpu.memory_space<hbm>>
        tpu.enqueue_dma source(%arg11 : memref<16xi32, #tpu.memory_space<vmem>>) target(%dma_start3A_611 : memref<16xi32, #tpu.memory_space<hbm>>) target_semaphore(%run_scoped3A : memref<!tpu.dma_semaphore, #tpu.memory_space<semaphore_mem>>)
        %dma_wait3A = tpu.memref_slice %arg5[%mul3A_608] : memref<16384xi32, #tpu.memory_space<hbm>> -> memref<16xi32, #tpu.memory_space<hbm>>
        %dma_wait3A_612 = tpu.memref_slice %arg5[%mul3A_608] : memref<16384xi32, #tpu.memory_space<hbm>> -> memref<16xi32, #tpu.memory_space<hbm>>
        tpu.wait_dma2 semaphore(%run_scoped3A : memref<!tpu.dma_semaphore, #tpu.memory_space<semaphore_mem>>) src(%arg11 : memref<16xi32, #tpu.memory_space<vmem>>) dst(%dma_wait3A_612 : memref<16xi32, #tpu.memory_space<hbm>>)
        tpu.yield
      }) : () -> ()
      %scan3A_609 = arith.constant 0 : i32
      scf.yield %scan3A_609 : i32
    }
    %scan3A_7 = arith.constant 32 : i32
    return
  }
}

module attributes {stable_mosaic.version = 14 : i64} {
  func.func @_tc_body(%arg0: i32, %arg1: memref<1024x64xf32, #tpu.memory_space<vmem>>, %arg2: memref<512x64xf32, #tpu.memory_space<vmem>>, %arg3: memref<1024x512xf32, #tpu.memory_space<vmem>>, %arg4: memref<1x1024x4xf32, #tpu.memory_space<vmem>>) attributes {dimension_semantics = [#tpu.dimension_semantics<arbitrary>], iteration_bounds = array<i64: 196>, scalar_prefetch = 0 : i64, scratch_operands = 0 : i64, tpu.core_type = #tpu.core_type<tc>, window_params = [{pipeline_mode = #tpu.pipeline_mode<synchronous>, transform_indices = @transform_0, window_bounds = array<i64: 1024, 64>}, {transform_indices = @transform_1, window_bounds = array<i64: 512, 64>}, {transform_indices = @transform_2, window_bounds = array<i64: 1024, 512>}, {transform_indices = @transform_3, window_bounds = array<i64: 1, 1024, 4>}]} {
    %get3A = arith.constant 0 : index
    %get3A_0 = arith.constant 0 : index
    %get3A_1 = vector.load %arg1[%get3A, %get3A_0] : memref<1024x64xf32, #tpu.memory_space<vmem>>, vector<1024x64xf32>
    %get3A_2 = arith.constant 0 : index
    %get3A_3 = arith.constant 0 : index
    %get3A_4 = vector.load %arg2[%get3A_2, %get3A_3] : memref<512x64xf32, #tpu.memory_space<vmem>>, vector<512x64xf32>
    %mul3A = arith.mulf %get3A_1, %get3A_1 : vector<1024x64xf32>
    %reduce_sum3A = arith.constant dense<0.000000e+00> : vector<1024xf32>
    %reduce_sum3A_5 = vector.multi_reduction <add>, %mul3A, %reduce_sum3A [1] : vector<1024x64xf32> to vector<1024xf32>
    %broadcast_in_dim3A = vector.shape_cast %reduce_sum3A_5 : vector<1024xf32> to vector<1024x1xf32>
    %mul3A_6 = arith.mulf %get3A_4, %get3A_4 : vector<512x64xf32>
    %reduce_sum3A_7 = arith.constant dense<0.000000e+00> : vector<512xf32>
    %reduce_sum3A_8 = vector.multi_reduction <add>, %mul3A_6, %reduce_sum3A_7 [1] : vector<512x64xf32> to vector<512xf32>
    %broadcast_in_dim3A_9 = vector.shape_cast %reduce_sum3A_8 : vector<512xf32> to vector<1x512xf32>
    %mul3A_10 = arith.constant 512 : i32
    %mul3A_11 = arith.muli %arg0, %mul3A_10 : i32
    %iota3A = tpu.iota {dimensions = array<i32: 1>} : vector<1x512xi32>
    %add3A = vector.broadcast %mul3A_11 : i32 to vector<1x512xi32>
    %add3A_12 = arith.addi %add3A, %iota3A : vector<1x512xi32>
    %lt3A = arith.constant 100000 : i32
    %lt3A_13 = vector.broadcast %lt3A : i32 to vector<1x512xi32>
    %lt3A_14 = arith.cmpi slt, %add3A_12, %lt3A_13 : vector<1x512xi32>
    %jit3A = arith.constant 0x7F800000 : f32
    %broadcast_in_dim3A_15 = vector.broadcast %jit3A : f32 to vector<1x512xf32>
    %select_n3A = arith.select %lt3A_14, %broadcast_in_dim3A_9, %broadcast_in_dim3A_15 : vector<1x512xi1>, vector<1x512xf32>
    %transpose3A = tpu.transpose %get3A_4, [1, 0] : vector<512x64xf32> -> vector<64x512xf32>
    %dot_general3A = arith.constant dense<0.000000e+00> : vector<1024x512xf32>
    %dot_general3A_16 = tpu.matmul %get3A_1, %transpose3A, %dot_general3A {dimension_numbers = #tpu.dot_dimension_numbers<[1], [0], [0], [1], [0, 0, 1, 1], [], []>, transpose_lhs_hint = false} : vector<1024x64xf32>, vector<64x512xf32>, vector<1024x512xf32> -> vector<1024x512xf32>
    %mul3A_17 = arith.constant -2.000000e+00 : f32
    %mul3A_18 = vector.broadcast %mul3A_17 : f32 to vector<1024x512xf32>
    %mul3A_19 = arith.mulf %mul3A_18, %dot_general3A_16 : vector<1024x512xf32>
    %add3A_20 = vector.broadcast %broadcast_in_dim3A : vector<1024x1xf32> to vector<1024x512xf32>
    %add3A_21 = arith.addf %mul3A_19, %add3A_20 : vector<1024x512xf32>
    %add3A_22 = vector.broadcast %select_n3A : vector<1x512xf32> to vector<1024x512xf32>
    %add3A_23 = arith.addf %add3A_21, %add3A_22 : vector<1024x512xf32>
    %swap3A = arith.constant 0 : index
    %swap3A_24 = arith.constant 0 : index
    %swap3A_25 = vector.load %arg3[%swap3A, %swap3A_24] : memref<1024x512xf32, #tpu.memory_space<vmem>>, vector<1024x512xf32>
    tpu.vector_store %arg3[%swap3A, %swap3A_24], %add3A_23 {strides = array<i32>} : memref<1024x512xf32, #tpu.memory_space<vmem>>, vector<1024x512xf32>,
    %reshape3A = vector.shape_cast %add3A_23 : vector<1024x512xf32> to vector<1024x4x128xf32>
    %reduce_min3A = arith.constant dense<0x7F800000> : vector<1024x4xf32>
    %reduce_min3A_26 = vector.multi_reduction <minimumf>, %reshape3A, %reduce_min3A [2] : vector<1024x4x128xf32> to vector<1024x4xf32>
    %broadcast_in_dim3A_27 = vector.shape_cast %reduce_min3A_26 : vector<1024x4xf32> to vector<1x1024x4xf32>
    %swap3A_28 = arith.constant 0 : index
    %swap3A_29 = arith.constant 0 : index
    %swap3A_30 = arith.constant 0 : index
    %swap3A_31 = vector.load %arg4[%swap3A_28, %swap3A_29, %swap3A_30] : memref<1x1024x4xf32, #tpu.memory_space<vmem>>, vector<1x1024x4xf32>
    tpu.vector_store %arg4[%swap3A_28, %swap3A_29, %swap3A_30], %broadcast_in_dim3A_27 {strides = array<i32>} : memref<1x1024x4xf32, #tpu.memory_space<vmem>>, vector<1x1024x4xf32>,
    return
  }
  func.func @transform_0(%arg0: i32) -> (i32, i32) {
    %c0_i32 = arith.constant 0 : i32
    %c0_i32_0 = arith.constant 0 : i32
    %c0_i32_1 = arith.constant 0 : i32
    return %c0_i32, %c0_i32_0 : i32, i32
  }
  func.func @transform_1(%arg0: i32) -> (i32, i32) {
    %c0_i32 = arith.constant 0 : i32
    %c0_i32_0 = arith.constant 0 : i32
    return %arg0, %c0_i32 : i32, i32
  }
  func.func @transform_2(%arg0: i32) -> (i32, i32) {
    %c0_i32 = arith.constant 0 : i32
    %c0_i32_0 = arith.constant 0 : i32
    return %c0_i32, %arg0 : i32, i32
  }
  func.func @transform_3(%arg0: i32) -> (i32, i32, i32) {
    %c0_i32 = arith.constant 0 : i32
    %c0_i32_0 = arith.constant 0 : i32
    %c0_i32_1 = arith.constant 0 : i32
    return %arg0, %c0_i32, %c0_i32_0 : i32, i32, i32
  }
}

</mosaic_0001>

<sc_bundles>
// kernel: kernel.4.cloned.1.call-start
scs
__scs_entry_jumppad:
0x0: {  	(pc) =	sbr.rel $0x88, $3  }
0x1: {  	(tag) =	ssettag $0x0;
	lr =	simm.s32 $0x1  }
0x2: {  	[smem:$0x3F9F] =	sst lr;
	_ =	strace $0xD0000000  }
0x3: {  	_ = 	snop  }
0x4: {  	_ = 	snop  }
0x5: {  	_ = 	snop  }
0x6: {  	_ = 	snop  }
0x7: {  	_ = 	snop  }
__scs_overlays_trampoline_lowered:
0x8: {  	[smem:$0x3FAE] =	sst s0  }
0x9: {  	[smem:$0x3FAF] =	sst s1  }
0xa: {  	[smem:$0x3FB0] =	sst s2  }
0xb: {  	[smem:$0x3FB1] =	sst s3  }
0xc: {  	[smem:$0x3FB2] =	sst s4  }
0xd: {  	[smem:$0x3FB3] =	sst s5  }
0xe: {  	[smem:$0x3FB4] =	sst s6  }
0xf: {  	[smem:$0x3FB5] =	sst s7  }
0x10: {  	[smem:$0x3FB6] =	sst s8  }
0x11: {  	[smem:$0x3FB7] =	sst s9;
	s0 =	simm.s32 @!p0 $0x0  }
0x12: {  	s1 =	sld [smem:$0x3F9D];
	s0 =	simm.s32 @p0 $0x1  }
0x13: {  	[smem:$0x3FB8] =	sst s0;
	s0 =	simm.s32 @!p1 $0x0  }
0x14: {  	s2 =	sld [smem:$0x3F9C];
	s0 =	simm.s32 @p1 $0x1  }
0x15: {  	[smem:$0x3FB9] =	sst s0;
	s0 =	simm.s32 @!p2 $0x0  }
0x16: {  	s3 =	sld [smem:$0x3FDB];
	s0 =	simm.s32 @p2 $0x1  }
0x17: {  	s4 =	simm.s32 $0x1BF5;
	[smem:$0x3FBB] =	sst s0  }
0x18: {  	s0 =	sld [smem:$0x3F9E];
	_ =	swait.ge [sflag:s4], $0x0  }
0x19: {  	s7 =	sld [smem:$0x3F9F]  }
0x1a: {  	s8 =	sadd.s32 $0xFFFFE003, lr  }
0x1b: {  	s9 =	sadd.s32 $0xFFFFFEF7, lr;
	s5 =	simm.s32 $0xFFFFFFFF;
	p2 =	slt.u32 s8, $0xFFFFF086  }
0x1c: {  	p1 =	slt.u32 s9, $0xF7A;
	s5 =	simm.s32 @!p2 $0x0  }
0x1d: {  	s5 =	simm.s32 @p1 $0x1;
	p0 =	seq.s32 s7, s2  }
0x1e: {  	s7 =	smul.u32 @!p0 $0xF7A, s2;
	p2 =	seq.s32 @!p0 s5, $0x0  }
0x1f: {  	s9 =	smul.u32 $0xF7A, s1;
	s8 =	simm.s32 @!p0 $0x1BF5;
	p2 =	por !p2, p0  }
0x20: {  	[sflag:s8] =	ssyncset.s32 @!p0 $0xFFFFF086;
	s6 =	sadd.s32 @!p0 s3, s7;
	s7 =	simm.s32 @!p0 $0x108  }
0x21: {  	s3 =	sadd.s32 s3, s9;
	s6 =	sadd.s32 @!p0 $0x88, s6;
	s7 =	simm.s32 @p2 $0x1082  }
0x22: {  	[simem:s7], [sflag:s8] =	dma.local @!p0 [hbm:s6], $0xF7A  }
0x23: {  	s9 =	sor.u32 $0xD0000000, s2;
	s6 =	simm.s32 $0x108;
	_ =	swait.ge @!p0 [sflag:s8], $0x0  }
0x24: {  	s3 =	sadd.s32 $0x88, s3;
	s6 =	simm.s32 @!p1 $0x1082;
	[sflag:s4] =	ssyncset.s32 $0xFFFFF086  }
0x25: {  	[simem:s6], [sflag:s4] =	dma.local [hbm:s3], $0xF7A  }
0x26: {  	[smem:$0x3F9F] =	sst s1;
	(tag) =	ssettag s2;
	_ =	strace s9  }
0x27: {  	s1 =	sld [smem:$0x3FAF]  }
0x28: {  	s2 =	sld [smem:$0x3FB0]  }
0x29: {  	s4 =	sld [smem:$0x3FB2]  }
0x2a: {  	p0 =	seq.s32 s5, $0x0;
	s5 =	sld [smem:$0x3FB3]  }
0x2b: {  	s6 =	sld [smem:$0x3FB4]  }
0x2c: {  	s7 =	sld [smem:$0x3FB5]  }
0x2d: {  	s3 =	simm.s32 $0x108;
	s8 =	sld [smem:$0x3FB6]  }
0x2e: {  	s3 =	simm.s32 @!p0 $0x1082;
	s9 =	sld [smem:$0x3FB7]  }
0x2f: {  	lr =	sadd.s32 s0, s3;
	s0 =	sld [smem:$0x3FAE]  }
0x30: {  	s3 =	sld [smem:$0x3FB1]  }
0x31: {  	[smem:$0x3FBA] =	sst s10  }
0x32: {  	s10 =	sld [smem:$0x3FB8];
	_ =	sdelay $0x3  }
0x33: {  	p0 =	seq.s32 s10, $0x1;
	s10 =	sld [smem:$0x3FBA];
	_ =	sdelay $0x3  }
0x34: {  	[smem:$0x3FBA] =	sst s10  }
0x35: {  	s10 =	sld [smem:$0x3FB9];
	_ =	sdelay $0x3  }
0x36: {  	p1 =	seq.s32 s10, $0x1;
	s10 =	sld [smem:$0x3FBA];
	_ =	sdelay $0x3  }
0x37: {  	[smem:$0x3FBA] =	sst s10  }
0x38: {  	s10 =	sld [smem:$0x3FBB]  }
0x39: {  	_ = 	snop;
	(pc) =	sbr.ind lr, $3  }
0x3a: {  	_ = 	snop  }
0x3b: {  	_ = 	snop  }
0x3c: {  	p2 =	seq.s32 s10, $0x1;
	s10 =	sld [smem:$0x3FBA]  }
0x3d: {  	_ =	shalt  }
0x3e: {  	_ =	shalt  }
0x3f: {  	_ =	shalt  }
0x40: {  	_ =	shalt  }
0x41: {  	_ =	shalt  }
0x42: {  	_ =	shalt  }
0x43: {  	_ =	shalt  }
0x44: {  	_ =	shalt  }
0x45: {  	_ =	shalt  }
0x46: {  	_ =	shalt  }
0x47: {  	_ =	shalt  }
0x48: {  	_ =	shalt  }
0x49: {  	_ =	shalt  }
0x4a: {  	_ =	shalt  }
0x4b: {  	_ =	shalt  }
0x4c: {  	_ =	shalt  }
0x4d: {  	_ =	shalt  }
0x4e: {  	_ =	shalt  }
0x4f: {  	_ =	shalt  }
0x50: {  	_ =	shalt  }
0x51: {  	_ =	shalt  }
0x52: {  	_ =	shalt  }
0x53: {  	_ =	shalt  }
0x54: {  	_ =	shalt  }
0x55: {  	_ =	shalt  }
0x56: {  	_ =	shalt  }
0x57: {  	_ =	shalt  }
0x58: {  	_ =	shalt  }
0x59: {  	_ =	shalt  }
0x5a: {  	_ =	shalt  }
0x5b: {  	_ =	shalt  }
0x5c: {  	_ =	shalt  }
0x5d: {  	_ =	shalt  }
0x5e: {  	_ =	shalt  }
0x5f: {  	_ =	shalt  }
0x60: {  	_ =	shalt  }
0x61: {  	_ =	shalt  }
0x62: {  	_ =	shalt  }
0x63: {  	_ =	shalt  }
0x64: {  	_ =	shalt  }
0x65: {  	_ =	shalt  }
0x66: {  	_ =	shalt  }
0x67: {  	_ =	shalt  }
0x68: {  	_ =	shalt  }
0x69: {  	_ =	shalt  }
0x6a: {  	_ =	shalt  }
0x6b: {  	_ =	shalt  }
0x6c: {  	_ =	shalt  }
0x6d: {  	_ =	shalt  }
0x6e: {  	_ =	shalt  }
0x6f: {  	_ =	shalt  }
0x70: {  	_ =	shalt  }
0x71: {  	_ =	shalt  }
0x72: {  	_ =	shalt  }
0x73: {  	_ =	shalt  }
0x74: {  	_ =	shalt  }
0x75: {  	_ =	shalt  }
0x76: {  	_ =	shalt  }
0x77: {  	_ =	shalt  }
0x78: {  	_ =	shalt  }
0x79: {  	_ =	shalt  }
0x7a: {  	_ =	shalt  }
0x7b: {  	_ =	shalt  }
0x7c: {  	_ =	shalt  }
0x7d: {  	_ =	shalt  }
0x7e: {  	_ =	shalt  }
0x7f: {  	_ =	shalt  }
0x80: {  	_ =	shalt  }
0x81: {  	_ =	shalt  }
0x82: {  	_ =	shalt  }
0x83: {  	_ =	shalt  }
0x84: {  	_ =	shalt  }
0x85: {  	_ =	shalt  }
0x86: {  	_ =	shalt  }
0x87: {  	_ =	shalt  }
.Lfunc_end0:
.L_simem_size_0:
called_computation_lowered:
.L_overlay_start_0:
0x88: {  	s2 =	sld [smem:$0x3FD9]  }
0x89: {  	s3 =	sld [smem:$0x3FFE];
	_ =	sdelay $0x1  }
0x8a: {  	s1 =	srdreg.scid  }
0x8b: {  	s0 =	sand.u32 $0x1, s1  }
0x8c: {  	s14 =	sshll.u32 s0, $0xA;
	s2 =	sadd.s32 s3, s2  }
0x8d: {  	s2 =	sadd.s32 s2, s14  }
0x8e: {  	[smem:$0x3FC6] =	sst s2  }
0x8f: {  	_ = 	snop  }
0x90: {  	s2 =	sld [smem:$0x3FD0];
	_ =	sdelay $0x2  }
0x91: {  	s15 =	simm.s32 $0xA;
	s4 =	simm.s32 $0x10  }
0x92: {  	[smem:s4], [sflag:s15] =	dma.local [hbm:s2], $0x1  }
0x93: {  	_ =	swait.eq [sflag:s15], $0x1  }
0x94: {  	[sflag:s15] =	ssyncset.done $0x0  }
0x95: {  	[sflag:s15] =	ssyncadd.s32 $0xFFFFFFFF  }
0x96: {  	s16 =	sld [smem:$0x11];
	(tm) =	ssettm $0x1  }
0x97: {  	s17 =	sld [smem:$0x3FFB];
	_ =	sdelay $0x3  }
0x98: {  	_ =	strace s17  }
0x99: {  	s3 =	sld [smem:$0x3FFC];
	_ =	sdelay $0x3  }
0x9a: {  	_ =	strace s3  }
0x9b: {  	s3 =	sld [smem:$0x3FFD];
	_ =	sdelay $0x3  }
0x9c: {  	_ =	strace s3  }
0x9d: {  	_ =	strace $0x8FFFFFFF  }
0x9e: {  	s18 =	sld [smem:$0x3FDB];
	_ =	sdelay $0x1  }
0x9f: {  	s19 =	simm.s32 $_scs_section_size  }
0xa0: {  	s5 =	simm.s32 $_size__tile_overlayer_lowered;
	s6 =	simm.s32 $_tile_overlayer_lowered  }
0xa1: {  	s22 =	simm.s32 $0x1BFF;
	s21 =	sshll.u32 s6, $0x1;
	s3 =	sadd.s32 s19, s18  }
0xa2: {  	s7 =	simm.s32 $0x0;
	s20 =	sshll.u32 s5, $0x1;
	s5 =	sadd.s32 s21, s3  }
0xa3: {  	[timem:s7], [sflag:s22] =	dma.local [hbm:s5], s20  }
0xa4: {  	_ =	swait.ge [sflag:s22], s20  }
0xa5: {  	s4 =	ssub.s32 $0x0, s20;
	[sflag:s22] =	ssyncset.done $0x0  }
0xa6: {  	[sflag:s22] =	ssyncadd.s32 s4;
	_ =	sdelay $0x1  }
0xa7: {  	s23 =	simm.s32 $0x1B8B  }
0xa8: {  	_ =	swait.ge [sflag:s23], $0x1  }
0xa9: {  	[sflag:s23] =	ssyncset.done $0x0  }
0xaa: {  	s25 =	simm.s32 $0x1B8E;
	s24 =	sld [smem:$0x3FFE];
	[sflag:s23] =	ssyncadd.s32 $0xFFFFFFFF  }
0xab: {  	s26 =	simm.s32 $execute0_lowered;
	[smem:$0x3FD2] =	sst s25  }
0xac: {  	s5 =	sshll.u32 s26, $0x1;
	_ =	strace $0x80000046;
	[dreg:$0x1] =	wrdreg $0xFFFFFFFF  }
0xad: {  	s28 =	simm.s32 $_size_execute0_lowered;
	s3 =	sadd.s32 s3, s5;
	[dreg:$0x0] =	wrdreg $0x0  }
0xae: {  	s5 =	sshll.u32 s28, $0x1;
	[dreg:$0x2] =	wrdreg s3  }
0xaf: {  	[dreg:$0x3] =	wrdreg s5  }
0xb0: {  	[dreg:$0x4] =	wrdreg $0xC0  }
0xb1: {  	_ =	task [dreg:s7], $0x5FFFF  }
0xb2: {  	[dreg:$0x1] =	wrdreg $0xFFFFFFFF  }
0xb3: {  	[dreg:$0x0] =	wrdreg $0x60  }
0xb4: {  	[dreg:$0x2] =	wrdreg s24  }
0xb5: {  	[dreg:$0x3] =	wrdreg s16  }
0xb6: {  	[dreg:$0x4] =	wrdreg $0x9  }
0xb7: {  	_ =	task.clear_ibuf [dreg:s7], $0x5FFFF;
	_ =	strace $0x90000046  }
0xb8: {  	s29 =	simm.s32 $0x9;
	_ =	strace $0x80000048  }
0xb9: {  	_ =	swait.ge [sflag:s29], $0x1  }
0xba: {  	[sflag:s29] =	ssyncadd.s32 $0xFFFFFFFF  }
0xbb: {  	_ =	strace $0x90000048  }
0xbc: {  	_ =	sfence  }
0xbd: {  	s30 =	sld [smem:$0x0];
	_ =	sdelay $0x2  }
0xbe: {  	s31 =	sshll.u32 s1, $0xD;
	s1 =	sshrl.u32 s1, $0x2  }
0xbf: {  	s3 =	sand.u32 $0x4000, s31;
	s1 =	sadd.s32 s1, s30  }
0xc0: {  	s0 =	sor.u32 s3, s0;
	s1 =	sshll.u32 s1, $0x11  }
0xc1: {  	s0 =	sor.u32 s1, s0  }
0xc2: {  	s0 =	sadd.s32 $0x8F2B, s0  }
0xc3: {  	[sflag:s0] =	ssyncadd.remote.s32 $0x1  }
0xc4: {  	_ =	sfence.sel $0xFFFF  }
0xc5: {  	[dreg:$0x0] =	wrdreg $0xFFFFFFFF;
	(pc) =	sbr.abs _section_cstart, $3  }
0xc6: {  	[dreg:$0x1] =	wrdreg $0xFFFFFFFF  }
0xc7: {  	_ =	task.clear_ibuf [dreg:s7], $0x2FFFF;
	_ =	strace $0x9FFFFFFF  }
0xc8: {  	(tm) =	ssettm $0x7FFFFFFF  }
0xc9: {  	_ =	shalt  }
tec
execute0_lowered:
.L_overlay_start_1:
0x0: {  	(tag) =	ssettag $0x1  }
0x1: {  	s3 =	rddreg [dreg:$0x0];
	s2 =	simm.s32 $0x0  }
0x2: {  	[smem:$0x7FF] =	sst s2  }
0x3: {  	s1 =	rddreg [dreg:$0x1];
	v0 =	vimm.f32 $+Inf;
	_ =	strace $0x80000047  }
0x4: {  	(xrf0) =	vmax.scan.msk.f32 $0xffff, v0;
	_ =	sdelay $0x5  }
0x5: {  	v0, _, _ =	vpop (xrf0)  }
0x6: {  	(v2sf) =	vpush v0, $0xF;
	_ =	sdelay $0x8  }
0x7: {  	s6 =	srdreg.scid;
	s11 =	simm.s32 $0x380  }
0x8: {  	v2 =	vimm.f32 $0.0e+00;
	s12 =	simm.s32 $0xB80;
	s13 =	simm.s32 $0xC00;
	s4 =	sadd.s32 $0x61F400, s3  }
.Ltmp0:
0x9: {  	vm0 =	vmxor vm0, vm0;
	vm1 =	vmmov $0x1;
	vm2 =	vmmov $0x3;
	s5 =	sadd.s32 $0xA00, s3;
	s7 =	sand.u32 $0x1, s6;
	(pc) =	sbr.rel .LBB2_1-.Ltmp0, $4  }
0xa: {  	vm3 =	vcmask $0xB08;
	vm4 =	vmmov $0x7;
	s6 =	sadd.s32 $0x19200, s3;
	s3 =	stileid.u32;
	s8 =	ssub.s32 $0x2, s7;
	v0 =	vlaneseq.u32  }
0xb: {  	vm5 =	vmmov $0xf;
	vm6 =	vmmov $0x1f;
	s10 =	sshll.u32 s3, $0x6;
	s7 =	sshll.u32 s7, $0x5;
	s9 =	sshrl.u32 s8, $0x1;
	v3 =	vmul.u32 $0xFFFFFFFF, v0  }
0xc: {  	vm7 =	vmmov $0x3f;
	vm8 =	vmmov $0x7f;
	vm9 =	vmmov $0xff;
	s14 =	simm.s32 $0x0;
	s7 =	sor.u32 s7, s10;
	s9 =	ssub.s32 s8, s9  }
0xd: {  	s10 =	simm.s32 $0x3;
	s9 =	smax.u32 s9, $0x1;
	v4 =	vor.u32 $0x80000000, v0;
	v1 =	vadd.s32 $0xF, v3;
	v3 =	vadd.s32 $0xFFFFFFFF, v3;
	s8 =	spop (v2sf)  }
.LBB2_12:
0xe: {  	s14 =	sadd.s32 $0x1, s14  }
0xf: {  	p0 =	sne.s32 s14, s9  }
.Ltmp1:
0x10: {  	_ = 	snop;
	(pc) =	sbr.rel @!p0 .LBB2_13-.Ltmp1, $1  }
0x11: {  	_ =	sdelay $0x3  }
.LBB2_1:
.Ltmp2:
0x12: {  	(pc) =	sbr.rel .LBB2_2-.Ltmp2, $2  }
0x13: {  	_ =	sdelay $0x2  }
0x14: {  	s15 =	simm.s32 $0x0  }
.LBB2_10:
0x15: {  	v8 =	vimm.f32 $+Inf;
	v5 =	vmov v3  }
.LBB2_11:
0x16: {  	(xrf0) =	vmin.scan.msk.f32 $0xffff, v8;
	_ =	sdelay $0x5  }
0x17: {  	v6, _, _ =	vpop (xrf0)  }
0x18: {  	v6 =	vbroadcast v6, $0xF;
	_ =	sdelay $0x1  }
0x19: {  	v7 =	vxor.u32 $0x80000000, v5;
	vm10 =	veq.f32 v8, v6  }
0x1a: {  	v9 =	vnsel vm10, $0xFFFFFFFF, v7  }
0x1b: {  	(xrf0) =	vmin.scan.msk.u32 $0xffff, v9;
	_ =	sdelay $0x5  }
0x1c: {  	v9, _, _ =	vpop (xrf0)  }
0x1d: {  	(v2sf) =	vpush v9, $0xF;
	_ =	sdelay $0xe  }
0x1e: {  	s17 =	spop (v2sf)  }
0x1f: {  	s17 =	sxor.u32 $0x80000000, s17  }
0x20: {  	vm11 =	veq.s32 v5, s17  }
0x21: {  	vm10 =	vmand vm10, vm11  }
0x22: {  	v42 =	vsel vm10, $0x7F800000, v8  }
0x23: {  	(xrf0) =	vmin.scan.msk.f32 $0xffff, v42;
	_ =	sdelay $0x5  }
0x24: {  	v43, _, _ =	vpop (xrf0)  }
0x25: {  	v8 =	vbroadcast v43, $0xF;
	_ =	sdelay $0x1  }
0x26: {  	vm10 =	veq.f32 v42, v8  }
0x27: {  	v10 =	vnsel vm10, $0xFFFFFFFF, v7  }
0x28: {  	(xrf0) =	vmin.scan.msk.u32 $0xffff, v10;
	_ =	sdelay $0x5  }
0x29: {  	v10, _, _ =	vpop (xrf0)  }
0x2a: {  	(v2sf) =	vpush v10, $0xF;
	_ =	sdelay $0xe  }
0x2b: {  	s18 =	spop (v2sf)  }
0x2c: {  	s18 =	sxor.u32 $0x80000000, s18  }
0x2d: {  	vm11 =	veq.s32 v5, s18  }
0x2e: {  	vm10 =	vmand vm10, vm11  }
0x2f: {  	v44 =	vsel vm10, $0x7F800000, v42  }
0x30: {  	(xrf0) =	vmin.scan.msk.f32 $0xffff, v44;
	_ =	sdelay $0x5  }
0x31: {  	v45, _, _ =	vpop (xrf0)  }
0x32: {  	v9 =	vbroadcast v45, $0xF;
	_ =	sdelay $0x1  }
0x33: {  	vm10 =	veq.f32 v44, v9  }
0x34: {  	v11 =	vnsel vm10, $0xFFFFFFFF, v7  }
0x35: {  	(xrf0) =	vmin.scan.msk.u32 $0xffff, v11;
	_ =	sdelay $0x5  }
0x36: {  	v11, _, _ =	vpop (xrf0)  }
0x37: {  	(v2sf) =	vpush v11, $0xF;
	_ =	sdelay $0xe  }
0x38: {  	s19 =	spop (v2sf)  }
0x39: {  	s19 =	sxor.u32 $0x80000000, s19  }
0x3a: {  	vm11 =	veq.s32 v5, s19  }
0x3b: {  	vm10 =	vmand vm10, vm11  }
0x3c: {  	v46 =	vsel vm10, $0x7F800000, v44  }
0x3d: {  	(xrf0) =	vmin.scan.msk.f32 $0xffff, v46;
	_ =	sdelay $0x5  }
0x3e: {  	v47, _, _ =	vpop (xrf0)  }
0x3f: {  	v10 =	vbroadcast v47, $0xF;
	_ =	sdelay $0x1  }
0x40: {  	vm10 =	veq.f32 v46, v10  }
0x41: {  	v12 =	vnsel vm10, $0xFFFFFFFF, v7  }
0x42: {  	(xrf0) =	vmin.scan.msk.u32 $0xffff, v12;
	_ =	sdelay $0x5  }
0x43: {  	v12, _, _ =	vpop (xrf0)  }
0x44: {  	(v2sf) =	vpush v12, $0xF;
	_ =	sdelay $0xe  }
0x45: {  	s20 =	spop (v2sf)  }
0x46: {  	s20 =	sxor.u32 $0x80000000, s20  }
0x47: {  	vm11 =	veq.s32 v5, s20  }
0x48: {  	vm10 =	vmand vm10, vm11  }
0x49: {  	v48 =	vsel vm10, $0x7F800000, v46  }
0x4a: {  	(xrf0) =	vmin.scan.msk.f32 $0xffff, v48;
	_ =	sdelay $0x5  }
0x4b: {  	v49, _, _ =	vpop (xrf0)  }
0x4c: {  	v11 =	vbroadcast v49, $0xF;
	_ =	sdelay $0x1  }
0x4d: {  	vm10 =	veq.f32 v48, v11  }
0x4e: {  	v13 =	vnsel vm10, $0xFFFFFFFF, v7  }
0x4f: {  	(xrf0) =	vmin.scan.msk.u32 $0xffff, v13;
	_ =	sdelay $0x5  }
0x50: {  	v13, _, _ =	vpop (xrf0)  }
0x51: {  	(v2sf) =	vpush v13, $0xF;
	_ =	sdelay $0xe  }
0x52: {  	s21 =	spop (v2sf)  }
0x53: {  	s21 =	sxor.u32 $0x80000000, s21  }
0x54: {  	vm11 =	veq.s32 v5, s21  }
0x55: {  	vm10 =	vmand vm10, vm11  }
0x56: {  	v50 =	vsel vm10, $0x7F800000, v48  }
0x57: {  	(xrf0) =	vmin.scan.msk.f32 $0xffff, v50;
	_ =	sdelay $0x5  }
0x58: {  	v51, _, _ =	vpop (xrf0)  }
0x59: {  	v12 =	vbroadcast v51, $0xF;
	_ =	sdelay $0x1  }
0x5a: {  	vm10 =	veq.f32 v50, v12  }
0x5b: {  	v14 =	vnsel vm10, $0xFFFFFFFF, v7  }
0x5c: {  	(xrf0) =	vmin.scan.msk.u32 $0xffff, v14;
	_ =	sdelay $0x5  }
0x5d: {  	v14, _, _ =	vpop (xrf0)  }
0x5e: {  	(v2sf) =	vpush v14, $0xF;
	_ =	sdelay $0xe  }
0x5f: {  	s22 =	spop (v2sf)  }
0x60: {  	s22 =	sxor.u32 $0x80000000, s22  }
0x61: {  	vm11 =	veq.s32 v5, s22  }
0x62: {  	vm10 =	vmand vm10, vm11  }
0x63: {  	v52 =	vsel vm10, $0x7F800000, v50  }
0x64: {  	(xrf0) =	vmin.scan.msk.f32 $0xffff, v52;
	_ =	sdelay $0x5  }
0x65: {  	v53, _, _ =	vpop (xrf0)  }
0x66: {  	v13 =	vbroadcast v53, $0xF;
	_ =	sdelay $0x1  }
0x67: {  	vm10 =	veq.f32 v52, v13  }
0x68: {  	v15 =	vnsel vm10, $0xFFFFFFFF, v7  }
0x69: {  	(xrf0) =	vmin.scan.msk.u32 $0xffff, v15;
	_ =	sdelay $0x5  }
0x6a: {  	v15, _, _ =	vpop (xrf0)  }
0x6b: {  	(v2sf) =	vpush v15, $0xF;
	_ =	sdelay $0xe  }
0x6c: {  	s23 =	spop (v2sf)  }
0x6d: {  	s23 =	sxor.u32 $0x80000000, s23  }
0x6e: {  	vm11 =	veq.s32 v5, s23  }
0x6f: {  	vm10 =	vmand vm10, vm11  }
0x70: {  	v14 =	vsel vm10, $0x7F800000, v52  }
0x71: {  	(xrf0) =	vmin.scan.msk.f32 $0xffff, v14;
	_ =	sdelay $0x5  }
0x72: {  	v54, _, _ =	vpop (xrf0)  }
0x73: {  	v15 =	vbroadcast v54, $0xF;
	_ =	sdelay $0x1  }
0x74: {  	vm10 =	veq.f32 v14, v15  }
0x75: {  	v16 =	vnsel vm10, $0xFFFFFFFF, v7  }
0x76: {  	(xrf0) =	vmin.scan.msk.u32 $0xffff, v16;
	_ =	sdelay $0x5  }
0x77: {  	v16, _, _ =	vpop (xrf0)  }
0x78: {  	(v2sf) =	vpush v16, $0xF;
	_ =	sdelay $0xe  }
0x79: {  	s24 =	spop (v2sf)  }
0x7a: {  	s24 =	sxor.u32 $0x80000000, s24  }
0x7b: {  	vm11 =	veq.s32 v5, s24  }
0x7c: {  	vm10 =	vmand vm10, vm11  }
0x7d: {  	v14 =	vsel vm10, $0x7F800000, v14  }
0x7e: {  	(xrf0) =	vmin.scan.msk.f32 $0xffff, v14;
	_ =	sdelay $0x5  }
0x7f: {  	v55, _, _ =	vpop (xrf0)  }
0x80: {  	v16 =	vbroadcast v55, $0xF;
	_ =	sdelay $0x1  }
0x81: {  	vm10 =	veq.f32 v14, v16  }
0x82: {  	v17 =	vnsel vm10, $0xFFFFFFFF, v7  }
0x83: {  	(xrf0) =	vmin.scan.msk.u32 $0xffff, v17;
	_ =	sdelay $0x5  }
0x84: {  	v17, _, _ =	vpop (xrf0)  }
0x85: {  	(v2sf) =	vpush v17, $0xF;
	_ =	sdelay $0xe  }
0x86: {  	s25 =	spop (v2sf)  }
0x87: {  	s25 =	sxor.u32 $0x80000000, s25  }
0x88: {  	vm11 =	veq.s32 v5, s25  }
0x89: {  	vm10 =	vmand vm10, vm11  }
0x8a: {  	v14 =	vsel vm10, $0x7F800000, v14  }
0x8b: {  	(xrf0) =	vmin.scan.msk.f32 $0xffff, v14;
	_ =	sdelay $0x5  }
0x8c: {  	v56, _, _ =	vpop (xrf0)  }
0x8d: {  	v17 =	vbroadcast v56, $0xF;
	_ =	sdelay $0x1  }
0x8e: {  	vm10 =	veq.f32 v14, v17  }
0x8f: {  	v18 =	vnsel vm10, $0xFFFFFFFF, v7  }
0x90: {  	(xrf0) =	vmin.scan.msk.u32 $0xffff, v18;
	_ =	sdelay $0x5  }
0x91: {  	v18, _, _ =	vpop (xrf0)  }
0x92: {  	(v2sf) =	vpush v18, $0xF;
	_ =	sdelay $0xe  }
0x93: {  	s26 =	spop (v2sf)  }
0x94: {  	s26 =	sxor.u32 $0x80000000, s26  }
0x95: {  	vm11 =	veq.s32 v5, s26  }
0x96: {  	vm10 =	vmand vm10, vm11  }
0x97: {  	v14 =	vsel vm10, $0x7F800000, v14  }
0x98: {  	(xrf0) =	vmin.scan.msk.f32 $0xffff, v14;
	_ =	sdelay $0x5  }
0x99: {  	v57, _, _ =	vpop (xrf0)  }
0x9a: {  	v18 =	vbroadcast v57, $0xF;
	_ =	sdelay $0x1  }
0x9b: {  	vm10 =	veq.f32 v14, v18  }
0x9c: {  	v19 =	vnsel vm10, $0xFFFFFFFF, v7  }
0x9d: {  	(xrf0) =	vmin.scan.msk.u32 $0xffff, v19;
	_ =	sdelay $0x5  }
0x9e: {  	v19, _, _ =	vpop (xrf0)  }
0x9f: {  	(v2sf) =	vpush v19, $0xF;
	_ =	sdelay $0xe  }
0xa0: {  	s28 =	spop (v2sf)  }
0xa1: {  	s28 =	sxor.u32 $0x80000000, s28  }
0xa2: {  	vm11 =	veq.s32 v5, s28  }
0xa3: {  	vm10 =	vmand vm10, vm11  }
0xa4: {  	v14 =	vsel vm10, $0x7F800000, v14  }
0xa5: {  	(xrf0) =	vmin.scan.msk.f32 $0xffff, v14;
	_ =	sdelay $0x5  }
0xa6: {  	v58, _, _ =	vpop (xrf0)  }
0xa7: {  	v19 =	vbroadcast v58, $0xF;
	_ =	sdelay $0x1  }
0xa8: {  	vm10 =	veq.f32 v14, v19  }
0xa9: {  	v20 =	vnsel vm10, $0xFFFFFFFF, v7  }
0xaa: {  	(xrf0) =	vmin.scan.msk.u32 $0xffff, v20;
	_ =	sdelay $0x5  }
0xab: {  	v20, _, _ =	vpop (xrf0)  }
0xac: {  	(v2sf) =	vpush v20, $0xF;
	_ =	sdelay $0xe  }
0xad: {  	s29 =	spop (v2sf)  }
0xae: {  	s29 =	sxor.u32 $0x80000000, s29  }
0xaf: {  	vm11 =	veq.s32 v5, s29  }
0xb0: {  	vm10 =	vmand vm10, vm11  }
0xb1: {  	v14 =	vsel vm10, $0x7F800000, v14  }
0xb2: {  	(xrf0) =	vmin.scan.msk.f32 $0xffff, v14;
	_ =	sdelay $0x5  }
0xb3: {  	v59, _, _ =	vpop (xrf0)  }
0xb4: {  	v20 =	vbroadcast v59, $0xF;
	_ =	sdelay $0x1  }
0xb5: {  	vm10 =	veq.f32 v14, v20  }
0xb6: {  	v21 =	vnsel vm10, $0xFFFFFFFF, v7  }
0xb7: {  	(xrf0) =	vmin.scan.msk.u32 $0xffff, v21;
	_ =	sdelay $0x5  }
0xb8: {  	v21, _, _ =	vpop (xrf0)  }
0xb9: {  	(v2sf) =	vpush v21, $0xF;
	_ =	sdelay $0xe  }
0xba: {  	s30 =	spop (v2sf)  }
0xbb: {  	s30 =	sxor.u32 $0x80000000, s30  }
0xbc: {  	vm11 =	veq.s32 v5, s30  }
0xbd: {  	vm10 =	vmand vm10, vm11  }
0xbe: {  	v14 =	vsel vm10, $0x7F800000, v14  }
0xbf: {  	(xrf0) =	vmin.scan.msk.f32 $0xffff, v14;
	_ =	sdelay $0x5  }
0xc0: {  	v60, _, _ =	vpop (xrf0)  }
0xc1: {  	v21 =	vbroadcast v60, $0xF;
	_ =	sdelay $0x1  }
0xc2: {  	vm10 =	veq.f32 v14, v21  }
0xc3: {  	v22 =	vnsel vm10, $0xFFFFFFFF, v7  }
0xc4: {  	(xrf0) =	vmin.scan.msk.u32 $0xffff, v22;
	_ =	sdelay $0x5  }
0xc5: {  	v22, _, _ =	vpop (xrf0)  }
0xc6: {  	(v2sf) =	vpush v22, $0xF;
	_ =	sdelay $0xe  }
0xc7: {  	s31 =	spop (v2sf)  }
0xc8: {  	s31 =	sxor.u32 $0x80000000, s31  }
0xc9: {  	vm11 =	veq.s32 v5, s31  }
0xca: {  	vm10 =	vmand vm10, vm11  }
0xcb: {  	v14 =	vsel vm10, $0x7F800000, v14  }
0xcc: {  	(xrf0) =	vmin.scan.msk.f32 $0xffff, v14;
	_ =	sdelay $0x5  }
0xcd: {  	v61, _, _ =	vpop (xrf0)  }
0xce: {  	v22 =	vbroadcast v61, $0xF;
	_ =	sdelay $0x1  }
0xcf: {  	vm10 =	veq.f32 v14, v22  }
0xd0: {  	v23 =	vnsel vm10, $0xFFFFFFFF, v7  }
0xd1: {  	(xrf0) =	vmin.scan.msk.u32 $0xffff, v23;
	_ =	sdelay $0x5  }
0xd2: {  	v23, _, _ =	vpop (xrf0)  }
0xd3: {  	(v2sf) =	vpush v23, $0xF;
	_ =	sdelay $0xe  }
0xd4: {  	s0 =	spop (v2sf)  }
0xd5: {  	s0 =	sxor.u32 $0x80000000, s0  }
0xd6: {  	vm11 =	veq.s32 v5, s0  }
0xd7: {  	vm10 =	vmand vm10, vm11  }
0xd8: {  	v5 =	vsel vm10, $0x7F800000, v14  }
0xd9: {  	(xrf0) =	vmin.scan.msk.f32 $0xffff, v5;
	_ =	sdelay $0x5  }
0xda: {  	v62, _, _ =	vpop (xrf0)  }
0xdb: {  	v63 =	vbroadcast v62, $0xF;
	_ =	sdelay $0x1  }
0xdc: {  	vm10 =	veq.f32 v5, v63  }
0xdd: {  	v5 =	vnsel vm10, $0xFFFFFFFF, v7  }
0xde: {  	(xrf0) =	vmin.scan.msk.u32 $0xffff, v5;
	_ =	sdelay $0x5  }
0xdf: {  	v5, _, _ =	vpop (xrf0)  }
0xe0: {  	(v2sf) =	vpush v5, $0xF;
	_ =	sdelay $0x1  }
0xe1: {  	v6 =	vsel vm1, v6, v8;
	vm10 =	veq.s32 v0, $0x0;
	v5 =	vmov s18  }
0xe2: {  	v6 =	vsel vm2, v6, v9;
	v5 =	vsel vm10, s17, v5  }
0xe3: {  	v6 =	vsel vm4, v6, v10;
	v5 =	vsel vm3, s19, v5  }
0xe4: {  	v6 =	vsel vm5, v6, v11;
	v5 =	vnsel vm4, s20, v5  }
0xe5: {  	v6 =	vsel vm6, v6, v12;
	v5 =	vnsel vm5, s21, v5  }
0xe6: {  	v6 =	vsel vm7, v6, v13;
	v5 =	vnsel vm6, s22, v5  }
0xe7: {  	v6 =	vsel vm8, v6, v15;
	v5 =	vnsel vm7, s23, v5  }
0xe8: {  	v6 =	vsel vm9, v6, v16;
	vm10 =	vmmov $0x1ff;
	v5 =	vnsel vm8, s24, v5  }
0xe9: {  	vm11 =	vmmov $0x3ff;
	v6 =	vsel vm10, v6, v17;
	v5 =	vnsel vm9, s25, v5  }
0xea: {  	v6 =	vsel vm11, v6, v18;
	v5 =	vnsel vm10, s26, v5;
	vm10 =	vmmov $0x7ff  }
0xeb: {  	v5 =	vnsel vm11, s28, v5;
	v6 =	vsel vm10, v6, v19;
	vm11 =	vmmov $0xfff  }
0xec: {  	v5 =	vnsel vm10, s29, v5;
	v6 =	vsel vm11, v6, v20;
	vm10 =	vmmov $0x1fff  }
0xed: {  	v5 =	vnsel vm11, s30, v5;
	v6 =	vsel vm10, v6, v21;
	vm11 =	vmmov $0x3fff  }
0xee: {  	v5 =	vnsel vm10, s31, v5;
	v6 =	vsel vm11, v6, v22;
	vm10 =	vmmov $0x7fff;
	s29 =	spop (v2sf)  }
0xef: {  	v5 =	vnsel vm11, s0, v5;
	v6 =	vsel vm10, v6, v62;
	vm10 =	veq.s32 v0, $0xF;
	s30 =	sxor.u32 $0x80000000, s29  }
0xf0: {  	s31 =	sshll.u32 s16, $0x1;
	[tilespmem:$0xB80] =	vst v6;
	v5 =	vsel vm10, s30, v5  }
0xf1: {  	s16 =	sadd.s32 s1, s31;
	[tilespmem:$0xC00] =	vst v5  }
0xf2: {  	[hbm4b:s16+s2] =	stream.linear.scatter [tilespmem:s12], [sflag:$0x3], $0x10, $0x38;
	[tilespmem:$0xC80] =	vst v63  }
0xf3: {  	s15 =	sadd.s32 $0x1, s15;
	_ =	swait.ge [sflag:s10], $0x10  }
0xf4: {  	p0 =	sne.s32 s15, $0x20;
	[sflag:s10] =	ssyncset.done $0x0  }
.Ltmp3:
0xf5: {  	s0 =	sadd.s32 s6, s31;
	[sflag:s10] =	ssyncadd.s32 $0xFFFFFFF0;
	(pc) =	sbr.rel @!p0 .LBB2_12-.Ltmp3, $4  }
0xf6: {  	[hbm4b:s0+s2] =	stream.linear.scatter [tilespmem:s13], [sflag:$0x3], $0x10, $0x38;
	[tilespmem:$0xC80] =	vst v63  }
0xf7: {  	_ =	swait.ge [sflag:s10], $0x10  }
0xf8: {  	[sflag:s10] =	ssyncset.done $0x0  }
0xf9: {  	[sflag:s10] =	ssyncadd.s32 $0xFFFFFFF0  }
.LBB2_2:
0xfa: {  	s16 =	sadd.s32 s7, s15  }
0xfb: {  	s17 =	smul.u32 $0x62, s16;
	_ =	sdelay $0x1  }
0xfc: {  	s18 =	simm.s32 $0x0;
	s17 =	sadd.s32 s5, s17  }
0xfd: {  	[tilespmem:s18], [sflag:$0x3] =	stream.linear.gather [hbm4b:s17+s18], $0x310, $0x38;
	[tilespmem:$0xC80] =	vst v63  }
0xfe: {  	_ =	swait.ge [sflag:s10], $0x310  }
0xff: {  	[sflag:s10] =	ssyncset.done $0x0  }
0x100: {  	s30 =	simm.s32 $0x0;
	[sflag:s10] =	ssyncadd.s32 $0xFFFFFCF0  }
0x101: {  	v5 =	vld [tilespmem:s30+$0x0];
	_ =	sdelay $0x4  }
0x102: {  	(xrf1) =	vsort.ascd.msk.f32 $0xffff, v5, v5;
	_ =	sdelay $0x9  }
0x103: {  	s31 =	simm.s32 $0x10  }
0x104: {  	v5 =	vld [tilespmem:s31+$0x0];
	_ =	sdelay $0x2  }
0x105: {  	v6, _, _ =	vpop (xrf1)  }
0x106: {  	v6 =	vperm.xlane v6, v1  }
0x107: {  	v7 =	vimm.f32 $+Inf;
	(xrf1) =	vsort.ascd.msk.f32 $0xffff, v5, v5  }
0x108: {  	v5 =	vmin.f32 v7, v6  }
0x109: {  	(xrf1) =	vsort.ascd.msk.f32 $0xffff, v5, v5;
	_ =	sdelay $0x7  }
0x10a: {  	s18 =	simm.s32 $0x20;
	s17 =	simm.s32 $0xC0  }
.LBB2_3:
0x10b: {  	p0 =	sne.s32 s17, $0xC00;
	v5 =	vld [tilespmem:s18+$0x0];
	_ =	sdelay $0x2  }
0x10c: {  	v6, _, _ =	vpop (xrf1)  }
0x10d: {  	v6 =	vperm.xlane v6, v1  }
0x10e: {  	(xrf1) =	vsort.ascd.msk.f32 $0xffff, v5, v5;
	v5, _, _ =	vpop (xrf1)  }
0x10f: {  	v5 =	vmin.f32 v5, v6  }
0x110: {  	(xrf1) =	vsort.ascd.msk.f32 $0xffff, v5, v5;
	_ =	sdelay $0x3  }
.Ltmp4:
0x111: {  	(pc) =	sbr.rel @p0 .LBB2_3-.Ltmp4, $2  }
0x112: {  	_ =	sdelay $0x2  }
0x113: {  	s18 =	sshra.s32 s17, $0x2;
	s17 =	sadd.s32 $0x40, s17  }
0x114: {  	v5 =	vld [tilespmem:s18+$0x0];
	_ =	sdelay $0x2  }
0x115: {  	v6, _, _ =	vpop (xrf1)  }
0x116: {  	v6 =	vperm.xlane v6, v1  }
0x117: {  	(xrf1) =	vsort.ascd.msk.f32 $0xffff, v5, v5;
	v5, _, _ =	vpop (xrf1)  }
0x118: {  	v5 =	vmin.f32 v5, v6  }
0x119: {  	(xrf1) =	vsort.ascd.msk.f32 $0xffff, v5, v5;
	_ =	sdelay $0xb  }
0x11a: {  	v5, _, _ =	vpop (xrf1)  }
0x11b: {  	v5 =	vperm.xlane v5, v1  }
0x11c: {  	v6, _, _ =	vpop (xrf1)  }
0x11d: {  	v5 =	vmin.f32 v6, v5  }
0x11e: {  	(xrf1) =	vsort.ascd.msk.f32 $0xffff, v5, v5;
	_ =	sdelay $0xd  }
0x11f: {  	v5, _, _ =	vpop (xrf1)  }
0x120: {  	(xrf0) =	vmax.scan.msk.f32 $0xffff, v5;
	_ =	sdelay $0x2  }
.Ltmp5:
0x121: {  	_ = 	snop;
	(pc) =	sbr.rel .LBB2_5-.Ltmp5, $3  }
0x122: {  	_ =	sdelay $0x1  }
0x123: {  	v5, _, _ =	vpop (xrf0)  }
0x124: {  	s17 =	simm.s32 $0x0;
	s18 =	simm.s32 $0x0;
	v5 =	vbroadcast v5, $0xF  }
.LBB2_8:
0x125: {  	s18 =	sadd.s32 $0x1, s18  }
0x126: {  	p0 =	sne.s32 s18, $0x31  }
.Ltmp6:
0x127: {  	_ = 	snop;
	(pc) =	sbr.rel @!p0 .LBB2_9-.Ltmp6, $1  }
0x128: {  	_ =	sdelay $0x3  }
.LBB2_5:
0x129: {  	s19 =	sshll.u32 s18, $0x4  }
0x12a: {  	v6 =	vld [tilespmem:s19+$0x0];
	_ =	sdelay $0x4  }
0x12b: {  	vm10 =	vle.f32 v6, v5  }
0x12c: {  	v6 =	vsel vm10, $0x3F800000, v2  }
0x12d: {  	(xrf0) =	vmax.scan.msk.f32 $0xffff, v6;
	_ =	sdelay $0x5  }
0x12e: {  	v6, _, _ =	vpop (xrf0)  }
0x12f: {  	(v2sf) =	vpush v6, $0xF;
	_ =	sdelay $0xe  }
0x130: {  	s20 =	spop (v2sf)  }
0x131: {  	p0 =	sgt.f32 s20, $0.0e+00  }
.Ltmp7:
0x132: {  	_ = 	snop;
	(pc) =	sbr.rel @!p0 .LBB2_8-.Ltmp7, $1  }
0x133: {  	_ =	sdelay $0x3  }
0x134: {  	s20 =	sshll.u32 s17, $0x2  }
0x135: {  	s20 =	sshra.s32 s20, $0x2  }
.LBB2_7:
0x136: {  	v6 =	vmctz.xlane vm10;
	_ =	sdelay $0x1  }
0x137: {  	v6 =	vxor.u32 $0x80000000, v6  }
0x138: {  	(xrf0) =	vmax.scan.msk.u32 $0xffff, v6;
	_ =	sdelay $0x5  }
0x139: {  	v6, _, _ =	vpop (xrf0)  }
0x13a: {  	(v2sf) =	vpush v6, $0xF;
	_ =	sdelay $0xe  }
0x13b: {  	s21 =	spop (v2sf)  }
0x13c: {  	s21 =	sxor.u32 $0x80000000, s21  }
0x13d: {  	v6 =	vmov s21  }
0x13e: {  	vm11 =	vne.s32 v6, v0  }
0x13f: {  	vm10 =	vmand vm10, vm11  }
0x140: {  	v6 =	vsel vm10, $0x3F800000, v2  }
0x141: {  	(xrf0) =	vmax.scan.msk.f32 $0xffff, v6;
	_ =	sdelay $0x5  }
0x142: {  	v6, _, _ =	vpop (xrf0)  }
0x143: {  	(v2sf) =	vpush v6, $0xF;
	_ =	sdelay $0xe  }
0x144: {  	s22 =	spop (v2sf)  }
0x145: {  	p0 =	sgt.f32 s22, $0.0e+00  }
.Ltmp8:
0x146: {  	_ = 	snop;
	(pc) =	sbr.rel @p0 .LBB2_7-.Ltmp8, $3  }
0x147: {  	_ =	sdelay $0x1  }
0x148: {  	s21 =	sadd.s32 s19, s21  }
0x149: {  	s17 =	sadd.s32 $0x1, s17;
	[smem:s20] =	sst s21;
	s20 =	sadd.s32 $0x1, s20  }
.Ltmp9:
0x14a: {  	_ = 	snop;
	(pc) =	sbr.rel .LBB2_8-.Ltmp9, $1  }
0x14b: {  	_ =	sdelay $0x3  }
.LBB2_9:
0x14c: {  	s18 =	sand.u32 $0x7, s15  }
0x14d: {  	p0 =	seq.s32 s16, $0x0;
	p1 =	sne.s32 s18, $0x0  }
0x14e: {  	p0 =	por !p0, !p1  }
0x14f: {  	s18 =	simm.s32 $0x1;
	p0 =	por !p0, !p0  }
0x150: {  	s19 =	sshrl.u32 s16, $0x3;
	s20 =	sld [smem:$0x0];
	s18 =	simm.s32 @!p0 $0x0  }
0x151: {  	s18 =	ssub.s32 s19, s18  }
0x152: {  	p0 =	slt.s32 s17, $0x1;
	s18 =	smul.u32 $0xC4000, s18  }
.Ltmp10:
0x153: {  	s31 =	sshll.u32 s20, $0xA;
	(pc) =	sbr.rel @p0 .LBB2_10-.Ltmp10, $4  }
0x154: {  	s19 =	sadd.s32 s18, s31  }
0x155: {  	s19 =	sshrl.u32 s19, $0x3  }
0x156: {  	s19 =	sadd.s32 s4, s19  }
0x157: {  	[tilespmem:s11], [sflag:$0x1] =	stream.linear.gather [hbm4b:s19+s2], $0x400, $0x38;
	[tilespmem:$0xC80] =	vst v63  }
.Ltmp11:
0x158: {  	(pc) =	sbr.rel .LBB2_16-.Ltmp11, $3  }
0x159: {  	_ =	sdelay $0x1  }
0x15a: {  	s19 =	sshll.u32 s15, $0x7  }
0x15b: {  	s20 =	simm.s32 $0x0;
	v8 =	vimm.f32 $+Inf;
	s21 =	smov.u32 s8;
	v5 =	vmov v3;
	s19 =	sand.u32 $0x380, s19  }
.LBB2_15:
0x15c: {  	p0 =	seq.s32 s20, s17  }
.Ltmp12:
0x15d: {  	_ = 	snop;
	(pc) =	sbr.rel @p0 .LBB2_11-.Ltmp12, $1  }
0x15e: {  	_ =	sdelay $0x3  }
.LBB2_16:
0x15f: {  	s22 =	smov.u32 s20;
	s20 =	sadd.s32 $0x1, s20  }
0x160: {  	s23 =	sand.u32 $0x1, s22;
	p1 =	sge.s32 s20, s17  }
0x161: {  	p0 =	sne.s32 @!p1 s23, $0x0  }
0x162: {  	p2 =	por p0, p1  }
0x163: {  	s24 =	sld @!p2 [smem:s20+$0x0];
	_ =	sdelay $0x2  }
0x164: {  	p0 =	seq.s32 s23, $0x1;
	s24 =	sshll.u32 @!p2 s24, $0xA  }
0x165: {  	p1 =	por !p0, p1;
	s24 =	sadd.s32 @!p2 s18, s24  }
0x166: {  	s25 =	sld @!p1 [smem:s20+$0x0];
	s24 =	sshrl.u32 @!p2 s24, $0x3  }
0x167: {  	s26 =	simm.s32 @!p2 $0x0;
	s28 =	simm.s32 @!p2 $0x780;
	s24 =	sadd.s32 @!p2 s4, s24  }
0x168: {  	[tilespmem:s28], [sflag:$0x2] =	stream.linear.gather @!p2 [hbm4b:s24+s26], $0x400, $0x38;
	[tilespmem:$0xC80] =	vst v63  }
0x169: {  	s24 =	sshll.u32 @!p1 s25, $0xA  }
0x16a: {  	s24 =	sadd.s32 @!p1 s18, s24  }
0x16b: {  	s24 =	sshrl.u32 @!p1 s24, $0x3  }
0x16c: {  	s25 =	simm.s32 @!p1 $0x0;
	s26 =	simm.s32 @!p1 $0x380;
	s24 =	sadd.s32 @!p1 s4, s24  }
0x16d: {  	[tilespmem:s26], [sflag:$0x1] =	stream.linear.gather @!p1 [hbm4b:s24+s25], $0x400, $0x38;
	[tilespmem:$0xC80] =	vst v63  }
0x16e: {  	p1 =	sne.s32 s23, $0x0  }
0x16f: {  	s24 =	simm.s32 @!p1 $0x1  }
0x170: {  	_ =	swait.ge @!p1 [sflag:s24], $0x400  }
0x171: {  	[sflag:s24] =	ssyncset.done @!p1 $0x0  }
0x172: {  	[sflag:s24] =	ssyncadd.s32 @!p1 $0xFFFFFC00;
	s24 =	simm.s32 @p0 $0x2  }
0x173: {  	_ =	swait.ge @p0 [sflag:s24], $0x400  }
0x174: {  	[sflag:s24] =	ssyncset.done @p0 $0x0  }
.Ltmp13:
0x175: {  	[sflag:s24] =	ssyncadd.s32 @p0 $0xFFFFFC00;
	(pc) =	sbr.rel .LBB2_17-.Ltmp13, $2  }
0x176: {  	s22 =	sld [smem:s22+$0x0];
	_ =	sdelay $0x2  }
0x177: {  	p0 =	seq.s32 s23, $0x0;
	s23 =	simm.s32 $0x0;
	s22 =	sshll.u32 s22, $0x7  }
.LBB2_20:
0x178: {  	s23 =	sadd.s32 $0x1, s23  }
0x179: {  	p1 =	seq.s32 s23, $0x8  }
.Ltmp14:
0x17a: {  	_ = 	snop;
	(pc) =	sbr.rel @p1 .LBB2_15-.Ltmp14, $1  }
0x17b: {  	_ =	sdelay $0x3  }
.LBB2_17:
0x17c: {  	s24 =	sshll.u32 s23, $0x4;
	s25 =	simm.s32 $0x380  }
0x17d: {  	s26 =	sor.u32 s19, s24;
	s25 =	simm.s32 @!p0 $0x780  }
0x17e: {  	s25 =	sadd.s32 s25, s26  }
0x17f: {  	v6 =	vld [tilespmem:s25+$0x0];
	_ =	sdelay $0x4  }
0x180: {  	vm10 =	vle.f32 v6, s21  }
0x181: {  	v7 =	vsel vm10, $0x3F800000, v2  }
0x182: {  	(xrf0) =	vmax.scan.msk.f32 $0xffff, v7;
	_ =	sdelay $0x5  }
0x183: {  	v7, _, _ =	vpop (xrf0)  }
0x184: {  	(v2sf) =	vpush v7, $0xF;
	_ =	sdelay $0xe  }
0x185: {  	s31 =	spop (v2sf)  }
0x186: {  	p1 =	sgt.f32 s31, $0.0e+00  }
.Ltmp15:
0x187: {  	_ = 	snop;
	(pc) =	sbr.rel @!p1 .LBB2_20-.Ltmp15, $1  }
0x188: {  	_ =	sdelay $0x3  }
0x189: {  	s24 =	sadd.s32 s22, s24  }
0x18a: {  	v7 =	vxor.u32 s24, v4  }
.LBB2_19:
0x18b: {  	v9 =	vmctz.xlane vm10;
	_ =	sdelay $0x1  }
0x18c: {  	v9 =	vxor.u32 $0x80000000, v9  }
0x18d: {  	(xrf0) =	vmax.scan.msk.u32 $0xffff, v9;
	_ =	sdelay $0x5  }
0x18e: {  	v9, _, _ =	vpop (xrf0)  }
0x18f: {  	(v2sf) =	vpush v9, $0xF;
	_ =	sdelay $0xe  }
0x190: {  	s24 =	spop (v2sf)  }
0x191: {  	s24 =	sxor.u32 $0x80000000, s24  }
0x192: {  	v9 =	vmov s24  }
0x193: {  	vm11 =	vne.s32 v9, v0  }
0x194: {  	v9 =	vsel vm11, $0xFF800000, v6  }
0x195: {  	vm12 =	veq.f32 v8, s21;
	v10 =	vxor.u32 $0x80000000, v5;
	(xrf0) =	vmax.scan.msk.f32 $0xffff, v9;
	v9 =	vsel vm11, $0x0, v7  }
0x196: {  	(xrf0) =	vmax.scan.msk.u32 $0xffff, v9;
	v9 =	vnsel vm12, $0x0, v10  }
0x197: {  	(xrf0) =	vmax.scan.msk.u32 $0xffff, v9;
	_ =	sdelay $0x3  }
0x198: {  	v9, _, _ =	vpop (xrf0)  }
0x199: {  	(v2sf) =	vpush v9, $0xF;
	v10, _, _ =	vpop (xrf0)  }
0x19a: {  	(v2sf) =	vpush v10, $0xF;
	v10, _, _ =	vpop (xrf0)  }
0x19b: {  	(v2sf) =	vpush v10, $0xF;
	_ =	sdelay $0xc  }
0x19c: {  	s30 =	spop (v2sf)  }
0x19d: {  	s25 =	spop (v2sf)  }
0x19e: {  	s26 =	spop (v2sf)  }
0x19f: {  	p1 =	seq.f32 s30, s21;
	s25 =	sxor.u32 $0x80000000, s25;
	s26 =	sxor.u32 $0x80000000, s26  }
0x1a0: {  	p2 =	slt.s32 s25, s26  }
0x1a1: {  	p3 =	slt.f32 s30, s21;
	p1 =	por !p1, !p2  }
0x1a2: {  	p1 =	por !p1, !p1  }
0x1a3: {  	vm13 =	vmmov vm0;
	p1 =	por p3, p1  }
0x1a4: {  	vm14 =	veq.s32 v5, s26;
	vm13 =	vmneg @p1 vm13  }
0x1a5: {  	v9 =	vbroadcast v9, $0xF;
	vm13 =	vmand vm14, vm13  }
0x1a6: {  	vm12 =	vmand vm12, vm13  }
0x1a7: {  	vm10 =	vmand vm10, vm11;
	v8 =	vsel vm12, v9, v8  }
0x1a8: {  	v9 =	vsel vm10, $0x3F800000, v2;
	(xrf0) =	vmax.scan.msk.f32 $0xffff, v8  }
0x1a9: {  	(xrf0) =	vmax.scan.msk.f32 $0xffff, v9;
	_ =	sdelay $0x4  }
0x1aa: {  	v9, _, _ =	vpop (xrf0)  }
0x1ab: {  	(v2sf) =	vpush v9, $0xF;
	v9, _, _ =	vpop (xrf0)  }
0x1ac: {  	(v2sf) =	vpush v9, $0xF;
	_ =	sdelay $0xd  }
0x1ad: {  	s21 =	spop (v2sf)  }
0x1ae: {  	s31 =	spop (v2sf)  }
0x1af: {  	p1 =	sgt.f32 s31, $0.0e+00  }
.Ltmp16:
0x1b0: {  	_ = 	snop;
	(pc) =	sbr.rel @p1 .LBB2_19-.Ltmp16, $2  }
0x1b1: {  	_ =	sdelay $0x2  }
0x1b2: {  	v5 =	vsel vm12, s25, v5  }
.Ltmp17:
0x1b3: {  	_ = 	snop;
	(pc) =	sbr.rel .LBB2_20-.Ltmp17, $1  }
0x1b4: {  	_ =	sdelay $0x3  }
.LBB2_13:
0x1b5: {  	_ =	sfence.sel $0x180000  }
0x1b6: {  	[bflag:$0x0] =	sbarrier.arrive $0xFFFF  }
0x1b7: {  	_ =	strace $0x90000047  }
0x1b8: {  	[bflag:$0x2] =	sbarrier.arrive $0xFFFF  }
0x1b9: {  	p0 =	sne.s32 s3, $0x0;
	s0 =	rddreg [dreg:$0x2]  }
0x1ba: {  	s0 =	sadd.s32 @!p0 $0x100000, s0  }
0x1bb: {  	[sflag:s0] =	ssyncadd.tile.s32 @!p0 $0x1;
	_ =	shalt  }
.Lfunc_end2:
_tile_overlayer_lowered:
.L_overlay_start_2:
0x1bc: {  	(tag) =	ssettag $0x2  }
0x1bd: {  	s0 =	rddreg [dreg:$0x0];
	s2 =	stileid.u32  }
0x1be: {  	s1 =	rddreg [dreg:$0x1];
	p0 =	sne.s32 s2, $0x0  }
0x1bf: {  	s3 =	rddreg [dreg:$0x2];
	[bflag:$0x3] =	sbarrier.arrive $0xFFFF;
	s2 =	simm.s32 @!p0 $0x1C03  }
0x1c0: {  	[timem:s3], [sflag:s2] =	dma.local @!p0 [hbm:s0], s1  }
0x1c1: {  	s0 =	simm.s32 @!p0 $0x3  }
0x1c2: {  	_ =	swait.ge @!p0 [sflag:s0], s1  }
0x1c3: {  	s1 =	ssub.s32 @!p0 $0x0, s1;
	[sflag:s0] =	ssyncset.done @!p0 $0x0  }
0x1c4: {  	[sflag:s0] =	ssyncadd.s32 @!p0 s1  }
0x1c5: {  	[bflag:$0x3] =	sbarrier.arrive $0xFFFF  }
0x1c6: {  	_ =	shalt  }

</sc_bundles>
